<compile_context>
chip_gen: v7x
topology: tpu7x:2x2x1
jax: 0.10.2.dev20260603
libtpu: 0.0.44.dev20260713+nightly
codegen_flags: <defaults>
</compile_context>

<pallas_src>
import functools

import jax
import jax.numpy as jnp
from jax import lax
from jax.experimental import pallas as pl
from jax.experimental.pallas import tpu as pltpu
from jax.experimental.pallas import tpu_sc as plsc

BUCKET_SIZE = 64
N_HASHES = 8
SEQLEN = 4096
NB = 64
LANES = 16
NVREG = SEQLEN // LANES


def _hash_body(w_ref, qk_ref, b_ref):
    a = lax.dot_general(w_ref[...], qk_ref[0], (((1,), (1,)), ((), ())),
                        preferred_element_type=jnp.float32)
    a = a.reshape(N_HASHES, NB, -1)
    row = lax.broadcasted_iota(jnp.int32, a.shape, 1)
    mx = jnp.max(a, axis=1, keepdims=True)
    b_ref[...] = jnp.min(jnp.where(a == mx, row, NB), axis=1)


def _hash_buckets(qk, w):
    batch = qk.shape[0]
    nblk = 2048
    return pl.pallas_call(
        _hash_body,
        grid=(batch, SEQLEN // nblk),
        in_specs=[
            pl.BlockSpec((N_HASHES * NB, 64), lambda b, t: (0, 0)),
            pl.BlockSpec((1, nblk, 64), lambda b, t: (b, t, 0)),
        ],
        out_specs=pl.BlockSpec((N_HASHES, nblk), lambda b, t: (b, t)),
        out_shape=jax.ShapeDtypeStruct((batch * N_HASHES, SEQLEN), jnp.int32),
    )(w, qk)


def _structure_body(bk_hbm, c0_hbm, c63_hbm, bk_v, c0_v, c63_v,
                    hist_v, off_v, offend_v):
    wid = lax.axis_index("s") * 2 + lax.axis_index("c")
    pltpu.sync_copy(bk_hbm.at[wid], bk_v)

    lane = lax.iota(jnp.int32, LANES)
    ones = jnp.ones((LANES,), jnp.int32)
    zeros = jnp.zeros((LANES,), jnp.int32)

    for j in range(LANES * NB // LANES):
        hist_v[pl.ds(j * LANES, LANES)] = zeros
    lane_base = lane * NB

    def hist_step(i, _):
        for j in range(4):
            bkv = bk_v[pl.ds((i * 4 + j) * LANES, LANES)]
            plsc.addupdate_scatter(hist_v, [lane_base + bkv], ones)
        return 0

    lax.fori_loop(0, NVREG // 4, hist_step, 0)

    lo_bound = BUCKET_SIZE
    hi_bound = SEQLEN - BUCKET_SIZE
    run = jnp.int32(0)
    s0 = jnp.int32(0)
    lim0 = jnp.int32(0)
    sL = jnp.int32(0)
    limL = jnp.int32(0)
    for g in range(NB // LANES):
        cnt = zeros
        for l in range(LANES):
            cnt = cnt + hist_v[pl.ds(l * NB + g * LANES, LANES)]
        incl = plsc.cumsum(cnt)
        off = incl - cnt + run
        offend = off + cnt
        run = run + jnp.sum(cnt)
        off_v[pl.ds(g * LANES, LANES)] = off
        offend_v[pl.ds(g * LANES, LANES)] = offend
        binid = lane + g * LANES
        m0 = jnp.where((off < lo_bound) & (offend > lo_bound), 1, 0)
        s0 = s0 + jnp.sum(m0 * (binid + 1))
        lim0 = lim0 + jnp.sum(m0 * (lo_bound - off))
        mL = jnp.where((off < hi_bound) & (offend > hi_bound), 1, 0)
        sL = sL + jnp.sum(mL * (binid + 1))
        limL = limL + jnp.sum(mL * (hi_bound - off))
    s0v = jnp.full((LANES,), s0 - 1, jnp.int32)
    sLv = jnp.full((LANES,), sL - 1, jnp.int32)
    lim0v = jnp.full((LANES,), lim0, jnp.int32)
    limLv = jnp.full((LANES,), limL, jnp.int32)

    def sweep_step(i, carry):
        carry0, carryL = carry
        for j in range(4):
            bkv = bk_v[pl.ds((i * 4 + j) * LANES, LANES)]
            offv = plsc.load_gather(off_v, [bkv])
            offe = plsc.load_gather(offend_v, [bkv])
            is0 = bkv == s0v
            isL = bkv == sLv
            i0 = jnp.where(is0, 1, 0)
            iL = jnp.where(isL, 1, 0)
            r0 = plsc.cumsum(i0) - i0 + carry0
            rL = plsc.cumsum(iL) - iL + carryL
            c0 = (offe <= lo_bound) | (is0 & (r0 < lim0v))
            cL = (offv >= hi_bound) | (isL & (rL >= limLv))
            c0_v[pl.ds((i * 4 + j) * LANES, LANES)] = jnp.where(c0, 1.0, 0.0)
            c63_v[pl.ds((i * 4 + j) * LANES, LANES)] = jnp.where(cL, 1.0, 0.0)
            carry0 = carry0 + jnp.sum(i0)
            carryL = carryL + jnp.sum(iL)
        return (carry0, carryL)

    lax.fori_loop(0, NVREG // 4, sweep_step, (jnp.int32(0), jnp.int32(0)))

    pltpu.sync_copy(c0_v, c0_hbm.at[wid])
    pltpu.sync_copy(c63_v, c63_hbm.at[wid])


def _chunk_structure(buckets2):
    nrows = buckets2.shape[0]
    mesh = plsc.VectorSubcoreMesh(core_axis_name="c", subcore_axis_name="s")
    f = pl.kernel(
        _structure_body,
        out_type=[
            jax.ShapeDtypeStruct((nrows, SEQLEN), jnp.float32),
            jax.ShapeDtypeStruct((nrows, SEQLEN), jnp.float32),
        ],
        mesh=mesh,
        compiler_params=pltpu.CompilerParams(needs_layout_passes=False),
        scratch_types=[
            pltpu.VMEM((SEQLEN,), jnp.int32),
            pltpu.VMEM((SEQLEN,), jnp.float32),
            pltpu.VMEM((SEQLEN,), jnp.float32),
            pltpu.VMEM((LANES * NB,), jnp.int32),
            pltpu.VMEM((NB,), jnp.int32),
            pltpu.VMEM((NB,), jnp.int32),
        ],
    )
    return f(buckets2)


def _combine_body(v_ref, c0_ref, c63_ref, o_ref):
    c0 = c0_ref[...]
    c63 = c63_ref[...]
    c63r = jnp.concatenate([c63[N_HASHES - 1:], c63[:N_HASHES - 1]], axis=0)
    m = 1.0 + c0 * c63r
    logits = jnp.log(m)
    mx = jnp.max(logits, axis=0, keepdims=True)
    lse = mx + jnp.log(jnp.sum(jnp.exp(logits - mx), axis=0, keepdims=True))
    probs = jnp.exp(logits - lse)
    w = lax.dot_general(probs, jnp.ones((N_HASHES, 1), jnp.float32),
                        (((0,), (0,)), ((), ())),
                        preferred_element_type=jnp.float32)
    o_ref[0] = v_ref[0] * w


def _combine(v, c0, c63):
    batch, seqlen, dim = v.shape
    tblk = 4096
    return pl.pallas_call(
        _combine_body,
        grid=(batch, seqlen // tblk),
        in_specs=[
            pl.BlockSpec((1, tblk, dim), lambda b, t: (b, t, 0)),
            pl.BlockSpec((N_HASHES, tblk), lambda b, t: (b, t)),
            pl.BlockSpec((N_HASHES, tblk), lambda b, t: (b, t)),
        ],
        out_specs=pl.BlockSpec((1, tblk, dim), lambda b, t: (b, t, 0)),
        out_shape=jax.ShapeDtypeStruct((batch, seqlen, dim), jnp.float32),
    )(v, c0, c63)


def kernel(qk, v):
    batch, seqlen, dim = qk.shape
    rot = jax.random.normal(jax.random.key(42),
                            (dim, N_HASHES, NB // 2), dtype=jnp.float32)
    rot2 = jnp.concatenate([rot, -rot], axis=2)
    w = jnp.transpose(rot2, (1, 2, 0)).reshape(N_HASHES * NB, dim)
    buckets = _hash_buckets(qk, w)
    c0, c63 = _chunk_structure(buckets)
    return _combine(v, c0, c63)

# --- scband reference (transcript-rebuilt; emitter-appended) ---
"""Pipeline reference for scband-lshattention-31903017075353 (READ-ONLY COPY).

The authoritative reference and input builder live on the scoring server;
editing this copy changes nothing except your own understanding.
"""

import jax, jax.numpy as jnp
import numpy as np

BUCKET_SIZE = 64
N_HASHES = 8


def make_unit_length(x, epsilon=1e-06):
    norm = jnp.linalg.norm(x, ord=2, axis=-1, keepdims=True)
    return x / (norm + epsilon)


def look_one_back(x):
    x_extra = jnp.concatenate([x[:, -1:, ...], x[:, :-1, ...]], axis=1)
    return jnp.concatenate([x, x_extra], axis=2)


def setup_inputs(seed: int = 0):
    key = jax.random.key(seed)
    k1, k2 = jax.random.split(key)
    qk = jax.random.normal(k1, (4, 4096, 64), dtype=jnp.float32)
    v = jax.random.normal(k2, (4, 4096, 64), dtype=jnp.float32)
    return {"qk": qk, "v": v}


def _forward(qk, v):
    batch, seqlen, dim = qk.shape
    n_buckets = seqlen // BUCKET_SIZE
    n_bins = n_buckets
    # hash_vectors (rehash_each_round=True, random_rotations_per_head=False, dropout=0)
    rot = jax.random.normal(jax.random.key(42), (dim, N_HASHES, n_buckets // 2), dtype=jnp.float32)
    rotated = jnp.einsum('btf,fhi->bhti', qk, rot)
    rotated = jnp.concatenate([rotated, -rotated], axis=-1)
    buckets = jnp.argmax(rotated, axis=-1)  # [b, n_hashes, t]
    offsets = (jnp.arange(N_HASHES, dtype=buckets.dtype) * n_buckets).reshape(1, -1, 1)
    buckets = (buckets + offsets).reshape(batch, -1)  # [b, n_hashes*seqlen]
    # sort tokens by (bucket, position)
    ticker = jnp.broadcast_to(jnp.arange(N_HASHES * seqlen)[None, :], (batch, N_HASHES * seqlen))
    buckets_and_t = jax.lax.stop_gradient(seqlen * buckets + (ticker % seqlen).astype(buckets.dtype))
    perm = jnp.argsort(buckets_and_t, axis=-1)
    sticker = jnp.take_along_axis(ticker, perm, axis=-1)
    undo_sort = jnp.argsort(sticker, axis=-1)
    st = sticker % seqlen
    sqk = jnp.take_along_axis(qk, st[:, :, None], axis=1)
    sv = jnp.take_along_axis(v, st[:, :, None], axis=1)
    bq_t = st.reshape(batch, N_HASHES * n_bins, -1)
    bkv_t = bq_t
    bqk = sqk.reshape(batch, N_HASHES * n_bins, -1, dim)
    bv = sv.reshape(batch, N_HASHES * n_bins, -1, dim)
    bq = bqk
    bk = make_unit_length(bqk)
    bk = look_one_back(bk)
    bv = look_one_back(bv)
    bkv_t = look_one_back(bkv_t)
    dots = jnp.einsum('bhie,bhje->bhij', bq, bk) * (dim ** (-0.5))
    # self mask exactly as written in the source (dots kept where q_t == kv_t)
    self_mask = (bq_t[:, :, :, None] == bkv_t[:, :, None, :]).astype(jnp.float32)
    dots = dots * self_mask + (1.0 - self_mask) * (-100000.0)
    dots_logsumexp = jax.scipy.special.logsumexp(dots, axis=-1, keepdims=True)
    dots = jnp.exp(dots - dots_logsumexp)
    bo = jnp.einsum('buij,buje->buie', dots, bv)
    so = bo.reshape(batch, -1, dim)
    slogits = dots_logsumexp.reshape(batch, -1)
    # unsort and combine over hash rounds (standard Reformer completion)
    o = jnp.take_along_axis(so, undo_sort[:, :, None], axis=1)
    logits = jnp.take_along_axis(slogits, undo_sort, axis=1)
    o = o.reshape(batch, N_HASHES, seqlen, dim)
    logits = logits.reshape(batch, N_HASHES, seqlen, 1)
    probs = jnp.exp(logits - jax.scipy.special.logsumexp(logits, axis=1, keepdims=True))
    out = jnp.sum(o * probs, axis=1)
    return out


def reference(qk, v):
    return _forward(qk, v)

if __name__ == "__main__":
    import jax
    _d = setup_inputs()
    print(jax.jit(kernel)(*tuple(_d.values())))

</pallas_src>

<mosaic_0001>
#map = affine_map<(d0, d1) -> (0, 0)>
module attributes {stable_mosaic.version = 14 : i64} {
  func.func @_structure_body(%arg0: i32, %arg1: i32, %arg2: memref<32x4096xi32, #tpu.memory_space<hbm>>, %arg3: memref<32x4096xf32, #tpu.memory_space<hbm>>, %arg4: memref<32x4096xf32, #tpu.memory_space<hbm>>, %arg5: memref<4096xi32, #tpu.memory_space<vmem>>, %arg6: memref<4096xf32, #tpu.memory_space<vmem>>, %arg7: memref<4096xf32, #tpu.memory_space<vmem>>, %arg8: memref<1024xi32, #tpu.memory_space<vmem>>, %arg9: memref<64xi32, #tpu.memory_space<vmem>>, %arg10: memref<64xi32, #tpu.memory_space<vmem>>) attributes {dimension_semantics = [#tpu.dimension_semantics<core_parallel>, #tpu.dimension_semantics<subcore_parallel>], iteration_bounds = array<i64: 2, 16>, scalar_prefetch = 0 : i64, scratch_operands = 6 : i64, tpu.core_type = #tpu.core_type<sc_vector_subcore>, window_params = [{transform_indices = #map}, {transform_indices = #map}, {transform_indices = #map}]} {
    %mul3A = arith.constant 2 : i32
    %mul3A_0 = arith.muli %arg1, %mul3A : i32
    %add3A = arith.addi %mul3A_0, %arg0 : i32
    "tpu.region"() ({
      %run_scoped3A = tpu.sem_alloc : memref<!tpu.dma_semaphore, #tpu.memory_space<semaphore_mem>>
      %dma_start3A = arith.constant 0 : i32
      %dma_start3A_661 = tpu.memref_slice %arg2[%add3A, %dma_start3A] : memref<32x4096xi32, #tpu.memory_space<hbm>> -> memref<1x4096xi32, #tpu.memory_space<hbm>>
      %dma_start3A_662 = tpu.memref_squeeze %dma_start3A_661 : memref<1x4096xi32, #tpu.memory_space<hbm>> -> memref<4096xi32, #tpu.memory_space<hbm>>
      %dma_start3A_663 = arith.constant 0 : i32
      %dma_start3A_664 = tpu.memref_slice %arg2[%add3A, %dma_start3A_663] : memref<32x4096xi32, #tpu.memory_space<hbm>> -> memref<1x4096xi32, #tpu.memory_space<hbm>>
      %dma_start3A_665 = tpu.memref_squeeze %dma_start3A_664 : memref<1x4096xi32, #tpu.memory_space<hbm>> -> memref<4096xi32, #tpu.memory_space<hbm>>
      tpu.enqueue_dma source(%dma_start3A_665 : memref<4096xi32, #tpu.memory_space<hbm>>) target(%arg5 : memref<4096xi32, #tpu.memory_space<vmem>>) target_semaphore(%run_scoped3A : memref<!tpu.dma_semaphore, #tpu.memory_space<semaphore_mem>>)
      %dma_wait3A = arith.constant 0 : i32
      %dma_wait3A_666 = tpu.memref_slice %arg2[%add3A, %dma_wait3A] : memref<32x4096xi32, #tpu.memory_space<hbm>> -> memref<1x4096xi32, #tpu.memory_space<hbm>>
      %dma_wait3A_667 = tpu.memref_squeeze %dma_wait3A_666 : memref<1x4096xi32, #tpu.memory_space<hbm>> -> memref<4096xi32, #tpu.memory_space<hbm>>
      %dma_wait3A_668 = arith.constant 0 : i32
      %dma_wait3A_669 = tpu.memref_slice %arg2[%add3A, %dma_wait3A_668] : memref<32x4096xi32, #tpu.memory_space<hbm>> -> memref<1x4096xi32, #tpu.memory_space<hbm>>
      %dma_wait3A_670 = tpu.memref_squeeze %dma_wait3A_669 : memref<1x4096xi32, #tpu.memory_space<hbm>> -> memref<4096xi32, #tpu.memory_space<hbm>>
      tpu.wait_dma2 semaphore(%run_scoped3A : memref<!tpu.dma_semaphore, #tpu.memory_space<semaphore_mem>>) src(%dma_wait3A_670 : memref<4096xi32, #tpu.memory_space<hbm>>) dst(%arg5 : memref<4096xi32, #tpu.memory_space<vmem>>)
      tpu.yield
    }) : () -> ()
    %iota3A = tpu.iota {dimensions = array<i32: 0>} : vector<16xi32>
    %broadcast_in_dim3A = arith.constant 1 : i32
    %broadcast_in_dim3A_1 = vector.broadcast %broadcast_in_dim3A : i32 to vector<16xi32>
    %broadcast_in_dim3A_2 = arith.constant 0 : i32
    %broadcast_in_dim3A_3 = vector.broadcast %broadcast_in_dim3A_2 : i32 to vector<16xi32>
    %swap3A = arith.constant 0 : index
    %swap3A_4 = tpu.vector_load %arg8[%swap3A] {strides = array<i32>} : memref<1024xi32, #tpu.memory_space<vmem>>, vector<16xi32>,
    tpu.vector_store %arg8[%swap3A], %broadcast_in_dim3A_3 {strides = array<i32>} : memref<1024xi32, #tpu.memory_space<vmem>>, vector<16xi32>,
    %swap3A_5 = arith.constant 16 : index
    %swap3A_6 = tpu.vector_load %arg8[%swap3A_5] {strides = array<i32>} : memref<1024xi32, #tpu.memory_space<vmem>>, vector<16xi32>,
    tpu.vector_store %arg8[%swap3A_5], %broadcast_in_dim3A_3 {strides = array<i32>} : memref<1024xi32, #tpu.memory_space<vmem>>, vector<16xi32>,
    %swap3A_7 = arith.constant 32 : index
    %swap3A_8 = tpu.vector_load %arg8[%swap3A_7] {strides = array<i32>} : memref<1024xi32, #tpu.memory_space<vmem>>, vector<16xi32>,
    tpu.vector_store %arg8[%swap3A_7], %broadcast_in_dim3A_3 {strides = array<i32>} : memref<1024xi32, #tpu.memory_space<vmem>>, vector<16xi32>,
    %swap3A_9 = arith.constant 48 : index
    %swap3A_10 = tpu.vector_load %arg8[%swap3A_9] {strides = array<i32>} : memref<1024xi32, #tpu.memory_space<vmem>>, vector<16xi32>,
    tpu.vector_store %arg8[%swap3A_9], %broadcast_in_dim3A_3 {strides = array<i32>} : memref<1024xi32, #tpu.memory_space<vmem>>, vector<16xi32>,
    %swap3A_11 = arith.constant 64 : index
    %swap3A_12 = tpu.vector_load %arg8[%swap3A_11] {strides = array<i32>} : memref<1024xi32, #tpu.memory_space<vmem>>, vector<16xi32>,
    tpu.vector_store %arg8[%swap3A_11], %broadcast_in_dim3A_3 {strides = array<i32>} : memref<1024xi32, #tpu.memory_space<vmem>>, vector<16xi32>,
    %swap3A_13 = arith.constant 80 : index
    %swap3A_14 = tpu.vector_load %arg8[%swap3A_13] {strides = array<i32>} : memref<1024xi32, #tpu.memory_space<vmem>>, vector<16xi32>,
    tpu.vector_store %arg8[%swap3A_13], %broadcast_in_dim3A_3 {strides = array<i32>} : memref<1024xi32, #tpu.memory_space<vmem>>, vector<16xi32>,
    %swap3A_15 = arith.constant 96 : index
    %swap3A_16 = tpu.vector_load %arg8[%swap3A_15] {strides = array<i32>} : memref<1024xi32, #tpu.memory_space<vmem>>, vector<16xi32>,
    tpu.vector_store %arg8[%swap3A_15], %broadcast_in_dim3A_3 {strides = array<i32>} : memref<1024xi32, #tpu.memory_space<vmem>>, vector<16xi32>,
    %swap3A_17 = arith.constant 112 : index
    %swap3A_18 = tpu.vector_load %arg8[%swap3A_17] {strides = array<i32>} : memref<1024xi32, #tpu.memory_space<vmem>>, vector<16xi32>,
    tpu.vector_store %arg8[%swap3A_17], %broadcast_in_dim3A_3 {strides = array<i32>} : memref<1024xi32, #tpu.memory_space<vmem>>, vector<16xi32>,
    %swap3A_19 = arith.constant 128 : index
    %swap3A_20 = tpu.vector_load %arg8[%swap3A_19] {strides = array<i32>} : memref<1024xi32, #tpu.memory_space<vmem>>, vector<16xi32>,
    tpu.vector_store %arg8[%swap3A_19], %broadcast_in_dim3A_3 {strides = array<i32>} : memref<1024xi32, #tpu.memory_space<vmem>>, vector<16xi32>,
    %swap3A_21 = arith.constant 144 : index
    %swap3A_22 = tpu.vector_load %arg8[%swap3A_21] {strides = array<i32>} : memref<1024xi32, #tpu.memory_space<vmem>>, vector<16xi32>,
    tpu.vector_store %arg8[%swap3A_21], %broadcast_in_dim3A_3 {strides = array<i32>} : memref<1024xi32, #tpu.memory_space<vmem>>, vector<16xi32>,
    %swap3A_23 = arith.constant 160 : index
    %swap3A_24 = tpu.vector_load %arg8[%swap3A_23] {strides = array<i32>} : memref<1024xi32, #tpu.memory_space<vmem>>, vector<16xi32>,
    tpu.vector_store %arg8[%swap3A_23], %broadcast_in_dim3A_3 {strides = array<i32>} : memref<1024xi32, #tpu.memory_space<vmem>>, vector<16xi32>,
    %swap3A_25 = arith.constant 176 : index
    %swap3A_26 = tpu.vector_load %arg8[%swap3A_25] {strides = array<i32>} : memref<1024xi32, #tpu.memory_space<vmem>>, vector<16xi32>,
    tpu.vector_store %arg8[%swap3A_25], %broadcast_in_dim3A_3 {strides = array<i32>} : memref<1024xi32, #tpu.memory_space<vmem>>, vector<16xi32>,
    %swap3A_27 = arith.constant 192 : index
    %swap3A_28 = tpu.vector_load %arg8[%swap3A_27] {strides = array<i32>} : memref<1024xi32, #tpu.memory_space<vmem>>, vector<16xi32>,
    tpu.vector_store %arg8[%swap3A_27], %broadcast_in_dim3A_3 {strides = array<i32>} : memref<1024xi32, #tpu.memory_space<vmem>>, vector<16xi32>,
    %swap3A_29 = arith.constant 208 : index
    %swap3A_30 = tpu.vector_load %arg8[%swap3A_29] {strides = array<i32>} : memref<1024xi32, #tpu.memory_space<vmem>>, vector<16xi32>,
    tpu.vector_store %arg8[%swap3A_29], %broadcast_in_dim3A_3 {strides = array<i32>} : memref<1024xi32, #tpu.memory_space<vmem>>, vector<16xi32>,
    %swap3A_31 = arith.constant 224 : index
    %swap3A_32 = tpu.vector_load %arg8[%swap3A_31] {strides = array<i32>} : memref<1024xi32, #tpu.memory_space<vmem>>, vector<16xi32>,
    tpu.vector_store %arg8[%swap3A_31], %broadcast_in_dim3A_3 {strides = array<i32>} : memref<1024xi32, #tpu.memory_space<vmem>>, vector<16xi32>,
    %swap3A_33 = arith.constant 240 : index
    %swap3A_34 = tpu.vector_load %arg8[%swap3A_33] {strides = array<i32>} : memref<1024xi32, #tpu.memory_space<vmem>>, vector<16xi32>,
    tpu.vector_store %arg8[%swap3A_33], %broadcast_in_dim3A_3 {strides = array<i32>} : memref<1024xi32, #tpu.memory_space<vmem>>, vector<16xi32>,
    %swap3A_35 = arith.constant 256 : index
    %swap3A_36 = tpu.vector_load %arg8[%swap3A_35] {strides = array<i32>} : memref<1024xi32, #tpu.memory_space<vmem>>, vector<16xi32>,
    tpu.vector_store %arg8[%swap3A_35], %broadcast_in_dim3A_3 {strides = array<i32>} : memref<1024xi32, #tpu.memory_space<vmem>>, vector<16xi32>,
    %swap3A_37 = arith.constant 272 : index
    %swap3A_38 = tpu.vector_load %arg8[%swap3A_37] {strides = array<i32>} : memref<1024xi32, #tpu.memory_space<vmem>>, vector<16xi32>,
    tpu.vector_store %arg8[%swap3A_37], %broadcast_in_dim3A_3 {strides = array<i32>} : memref<1024xi32, #tpu.memory_space<vmem>>, vector<16xi32>,
    %swap3A_39 = arith.constant 288 : index
    %swap3A_40 = tpu.vector_load %arg8[%swap3A_39] {strides = array<i32>} : memref<1024xi32, #tpu.memory_space<vmem>>, vector<16xi32>,
    tpu.vector_store %arg8[%swap3A_39], %broadcast_in_dim3A_3 {strides = array<i32>} : memref<1024xi32, #tpu.memory_space<vmem>>, vector<16xi32>,
    %swap3A_41 = arith.constant 304 : index
    %swap3A_42 = tpu.vector_load %arg8[%swap3A_41] {strides = array<i32>} : memref<1024xi32, #tpu.memory_space<vmem>>, vector<16xi32>,
    tpu.vector_store %arg8[%swap3A_41], %broadcast_in_dim3A_3 {strides = array<i32>} : memref<1024xi32, #tpu.memory_space<vmem>>, vector<16xi32>,
    %swap3A_43 = arith.constant 320 : index
    %swap3A_44 = tpu.vector_load %arg8[%swap3A_43] {strides = array<i32>} : memref<1024xi32, #tpu.memory_space<vmem>>, vector<16xi32>,
    tpu.vector_store %arg8[%swap3A_43], %broadcast_in_dim3A_3 {strides = array<i32>} : memref<1024xi32, #tpu.memory_space<vmem>>, vector<16xi32>,
    %swap3A_45 = arith.constant 336 : index
    %swap3A_46 = tpu.vector_load %arg8[%swap3A_45] {strides = array<i32>} : memref<1024xi32, #tpu.memory_space<vmem>>, vector<16xi32>,
    tpu.vector_store %arg8[%swap3A_45], %broadcast_in_dim3A_3 {strides = array<i32>} : memref<1024xi32, #tpu.memory_space<vmem>>, vector<16xi32>,
    %swap3A_47 = arith.constant 352 : index
    %swap3A_48 = tpu.vector_load %arg8[%swap3A_47] {strides = array<i32>} : memref<1024xi32, #tpu.memory_space<vmem>>, vector<16xi32>,
    tpu.vector_store %arg8[%swap3A_47], %broadcast_in_dim3A_3 {strides = array<i32>} : memref<1024xi32, #tpu.memory_space<vmem>>, vector<16xi32>,
    %swap3A_49 = arith.constant 368 : index
    %swap3A_50 = tpu.vector_load %arg8[%swap3A_49] {strides = array<i32>} : memref<1024xi32, #tpu.memory_space<vmem>>, vector<16xi32>,
    tpu.vector_store %arg8[%swap3A_49], %broadcast_in_dim3A_3 {strides = array<i32>} : memref<1024xi32, #tpu.memory_space<vmem>>, vector<16xi32>,
    %swap3A_51 = arith.constant 384 : index
    %swap3A_52 = tpu.vector_load %arg8[%swap3A_51] {strides = array<i32>} : memref<1024xi32, #tpu.memory_space<vmem>>, vector<16xi32>,
    tpu.vector_store %arg8[%swap3A_51], %broadcast_in_dim3A_3 {strides = array<i32>} : memref<1024xi32, #tpu.memory_space<vmem>>, vector<16xi32>,
    %swap3A_53 = arith.constant 400 : index
    %swap3A_54 = tpu.vector_load %arg8[%swap3A_53] {strides = array<i32>} : memref<1024xi32, #tpu.memory_space<vmem>>, vector<16xi32>,
    tpu.vector_store %arg8[%swap3A_53], %broadcast_in_dim3A_3 {strides = array<i32>} : memref<1024xi32, #tpu.memory_space<vmem>>, vector<16xi32>,
    %swap3A_55 = arith.constant 416 : index
    %swap3A_56 = tpu.vector_load %arg8[%swap3A_55] {strides = array<i32>} : memref<1024xi32, #tpu.memory_space<vmem>>, vector<16xi32>,
    tpu.vector_store %arg8[%swap3A_55], %broadcast_in_dim3A_3 {strides = array<i32>} : memref<1024xi32, #tpu.memory_space<vmem>>, vector<16xi32>,
    %swap3A_57 = arith.constant 432 : index
    %swap3A_58 = tpu.vector_load %arg8[%swap3A_57] {strides = array<i32>} : memref<1024xi32, #tpu.memory_space<vmem>>, vector<16xi32>,
    tpu.vector_store %arg8[%swap3A_57], %broadcast_in_dim3A_3 {strides = array<i32>} : memref<1024xi32, #tpu.memory_space<vmem>>, vector<16xi32>,
    %swap3A_59 = arith.constant 448 : index
    %swap3A_60 = tpu.vector_load %arg8[%swap3A_59] {strides = array<i32>} : memref<1024xi32, #tpu.memory_space<vmem>>, vector<16xi32>,
    tpu.vector_store %arg8[%swap3A_59], %broadcast_in_dim3A_3 {strides = array<i32>} : memref<1024xi32, #tpu.memory_space<vmem>>, vector<16xi32>,
    %swap3A_61 = arith.constant 464 : index
    %swap3A_62 = tpu.vector_load %arg8[%swap3A_61] {strides = array<i32>} : memref<1024xi32, #tpu.memory_space<vmem>>, vector<16xi32>,
    tpu.vector_store %arg8[%swap3A_61], %broadcast_in_dim3A_3 {strides = array<i32>} : memref<1024xi32, #tpu.memory_space<vmem>>, vector<16xi32>,
    %swap3A_63 = arith.constant 480 : index
    %swap3A_64 = tpu.vector_load %arg8[%swap3A_63] {strides = array<i32>} : memref<1024xi32, #tpu.memory_space<vmem>>, vector<16xi32>,
    tpu.vector_store %arg8[%swap3A_63], %broadcast_in_dim3A_3 {strides = array<i32>} : memref<1024xi32, #tpu.memory_space<vmem>>, vector<16xi32>,
    %swap3A_65 = arith.constant 496 : index
    %swap3A_66 = tpu.vector_load %arg8[%swap3A_65] {strides = array<i32>} : memref<1024xi32, #tpu.memory_space<vmem>>, vector<16xi32>,
    tpu.vector_store %arg8[%swap3A_65], %broadcast_in_dim3A_3 {strides = array<i32>} : memref<1024xi32, #tpu.memory_space<vmem>>, vector<16xi32>,
    %swap3A_67 = arith.constant 512 : index
    %swap3A_68 = tpu.vector_load %arg8[%swap3A_67] {strides = array<i32>} : memref<1024xi32, #tpu.memory_space<vmem>>, vector<16xi32>,
    tpu.vector_store %arg8[%swap3A_67], %broadcast_in_dim3A_3 {strides = array<i32>} : memref<1024xi32, #tpu.memory_space<vmem>>, vector<16xi32>,
    %swap3A_69 = arith.constant 528 : index
    %swap3A_70 = tpu.vector_load %arg8[%swap3A_69] {strides = array<i32>} : memref<1024xi32, #tpu.memory_space<vmem>>, vector<16xi32>,
    tpu.vector_store %arg8[%swap3A_69], %broadcast_in_dim3A_3 {strides = array<i32>} : memref<1024xi32, #tpu.memory_space<vmem>>, vector<16xi32>,
    %swap3A_71 = arith.constant 544 : index
    %swap3A_72 = tpu.vector_load %arg8[%swap3A_71] {strides = array<i32>} : memref<1024xi32, #tpu.memory_space<vmem>>, vector<16xi32>,
    tpu.vector_store %arg8[%swap3A_71], %broadcast_in_dim3A_3 {strides = array<i32>} : memref<1024xi32, #tpu.memory_space<vmem>>, vector<16xi32>,
    %swap3A_73 = arith.constant 560 : index
    %swap3A_74 = tpu.vector_load %arg8[%swap3A_73] {strides = array<i32>} : memref<1024xi32, #tpu.memory_space<vmem>>, vector<16xi32>,
    tpu.vector_store %arg8[%swap3A_73], %broadcast_in_dim3A_3 {strides = array<i32>} : memref<1024xi32, #tpu.memory_space<vmem>>, vector<16xi32>,
    %swap3A_75 = arith.constant 576 : index
    %swap3A_76 = tpu.vector_load %arg8[%swap3A_75] {strides = array<i32>} : memref<1024xi32, #tpu.memory_space<vmem>>, vector<16xi32>,
    tpu.vector_store %arg8[%swap3A_75], %broadcast_in_dim3A_3 {strides = array<i32>} : memref<1024xi32, #tpu.memory_space<vmem>>, vector<16xi32>,
    %swap3A_77 = arith.constant 592 : index
    %swap3A_78 = tpu.vector_load %arg8[%swap3A_77] {strides = array<i32>} : memref<1024xi32, #tpu.memory_space<vmem>>, vector<16xi32>,
    tpu.vector_store %arg8[%swap3A_77], %broadcast_in_dim3A_3 {strides = array<i32>} : memref<1024xi32, #tpu.memory_space<vmem>>, vector<16xi32>,
    %swap3A_79 = arith.constant 608 : index
    %swap3A_80 = tpu.vector_load %arg8[%swap3A_79] {strides = array<i32>} : memref<1024xi32, #tpu.memory_space<vmem>>, vector<16xi32>,
    tpu.vector_store %arg8[%swap3A_79], %broadcast_in_dim3A_3 {strides = array<i32>} : memref<1024xi32, #tpu.memory_space<vmem>>, vector<16xi32>,
    %swap3A_81 = arith.constant 624 : index
    %swap3A_82 = tpu.vector_load %arg8[%swap3A_81] {strides = array<i32>} : memref<1024xi32, #tpu.memory_space<vmem>>, vector<16xi32>,
    tpu.vector_store %arg8[%swap3A_81], %broadcast_in_dim3A_3 {strides = array<i32>} : memref<1024xi32, #tpu.memory_space<vmem>>, vector<16xi32>,
    %swap3A_83 = arith.constant 640 : index
    %swap3A_84 = tpu.vector_load %arg8[%swap3A_83] {strides = array<i32>} : memref<1024xi32, #tpu.memory_space<vmem>>, vector<16xi32>,
    tpu.vector_store %arg8[%swap3A_83], %broadcast_in_dim3A_3 {strides = array<i32>} : memref<1024xi32, #tpu.memory_space<vmem>>, vector<16xi32>,
    %swap3A_85 = arith.constant 656 : index
    %swap3A_86 = tpu.vector_load %arg8[%swap3A_85] {strides = array<i32>} : memref<1024xi32, #tpu.memory_space<vmem>>, vector<16xi32>,
    tpu.vector_store %arg8[%swap3A_85], %broadcast_in_dim3A_3 {strides = array<i32>} : memref<1024xi32, #tpu.memory_space<vmem>>, vector<16xi32>,
    %swap3A_87 = arith.constant 672 : index
    %swap3A_88 = tpu.vector_load %arg8[%swap3A_87] {strides = array<i32>} : memref<1024xi32, #tpu.memory_space<vmem>>, vector<16xi32>,
    tpu.vector_store %arg8[%swap3A_87], %broadcast_in_dim3A_3 {strides = array<i32>} : memref<1024xi32, #tpu.memory_space<vmem>>, vector<16xi32>,
    %swap3A_89 = arith.constant 688 : index
    %swap3A_90 = tpu.vector_load %arg8[%swap3A_89] {strides = array<i32>} : memref<1024xi32, #tpu.memory_space<vmem>>, vector<16xi32>,
    tpu.vector_store %arg8[%swap3A_89], %broadcast_in_dim3A_3 {strides = array<i32>} : memref<1024xi32, #tpu.memory_space<vmem>>, vector<16xi32>,
    %swap3A_91 = arith.constant 704 : index
    %swap3A_92 = tpu.vector_load %arg8[%swap3A_91] {strides = array<i32>} : memref<1024xi32, #tpu.memory_space<vmem>>, vector<16xi32>,
    tpu.vector_store %arg8[%swap3A_91], %broadcast_in_dim3A_3 {strides = array<i32>} : memref<1024xi32, #tpu.memory_space<vmem>>, vector<16xi32>,
    %swap3A_93 = arith.constant 720 : index
    %swap3A_94 = tpu.vector_load %arg8[%swap3A_93] {strides = array<i32>} : memref<1024xi32, #tpu.memory_space<vmem>>, vector<16xi32>,
    tpu.vector_store %arg8[%swap3A_93], %broadcast_in_dim3A_3 {strides = array<i32>} : memref<1024xi32, #tpu.memory_space<vmem>>, vector<16xi32>,
    %swap3A_95 = arith.constant 736 : index
    %swap3A_96 = tpu.vector_load %arg8[%swap3A_95] {strides = array<i32>} : memref<1024xi32, #tpu.memory_space<vmem>>, vector<16xi32>,
    tpu.vector_store %arg8[%swap3A_95], %broadcast_in_dim3A_3 {strides = array<i32>} : memref<1024xi32, #tpu.memory_space<vmem>>, vector<16xi32>,
    %swap3A_97 = arith.constant 752 : index
    %swap3A_98 = tpu.vector_load %arg8[%swap3A_97] {strides = array<i32>} : memref<1024xi32, #tpu.memory_space<vmem>>, vector<16xi32>,
    tpu.vector_store %arg8[%swap3A_97], %broadcast_in_dim3A_3 {strides = array<i32>} : memref<1024xi32, #tpu.memory_space<vmem>>, vector<16xi32>,
    %swap3A_99 = arith.constant 768 : index
    %swap3A_100 = tpu.vector_load %arg8[%swap3A_99] {strides = array<i32>} : memref<1024xi32, #tpu.memory_space<vmem>>, vector<16xi32>,
    tpu.vector_store %arg8[%swap3A_99], %broadcast_in_dim3A_3 {strides = array<i32>} : memref<1024xi32, #tpu.memory_space<vmem>>, vector<16xi32>,
    %swap3A_101 = arith.constant 784 : index
    %swap3A_102 = tpu.vector_load %arg8[%swap3A_101] {strides = array<i32>} : memref<1024xi32, #tpu.memory_space<vmem>>, vector<16xi32>,
    tpu.vector_store %arg8[%swap3A_101], %broadcast_in_dim3A_3 {strides = array<i32>} : memref<1024xi32, #tpu.memory_space<vmem>>, vector<16xi32>,
    %swap3A_103 = arith.constant 800 : index
    %swap3A_104 = tpu.vector_load %arg8[%swap3A_103] {strides = array<i32>} : memref<1024xi32, #tpu.memory_space<vmem>>, vector<16xi32>,
    tpu.vector_store %arg8[%swap3A_103], %broadcast_in_dim3A_3 {strides = array<i32>} : memref<1024xi32, #tpu.memory_space<vmem>>, vector<16xi32>,
    %swap3A_105 = arith.constant 816 : index
    %swap3A_106 = tpu.vector_load %arg8[%swap3A_105] {strides = array<i32>} : memref<1024xi32, #tpu.memory_space<vmem>>, vector<16xi32>,
    tpu.vector_store %arg8[%swap3A_105], %broadcast_in_dim3A_3 {strides = array<i32>} : memref<1024xi32, #tpu.memory_space<vmem>>, vector<16xi32>,
    %swap3A_107 = arith.constant 832 : index
    %swap3A_108 = tpu.vector_load %arg8[%swap3A_107] {strides = array<i32>} : memref<1024xi32, #tpu.memory_space<vmem>>, vector<16xi32>,
    tpu.vector_store %arg8[%swap3A_107], %broadcast_in_dim3A_3 {strides = array<i32>} : memref<1024xi32, #tpu.memory_space<vmem>>, vector<16xi32>,
    %swap3A_109 = arith.constant 848 : index
    %swap3A_110 = tpu.vector_load %arg8[%swap3A_109] {strides = array<i32>} : memref<1024xi32, #tpu.memory_space<vmem>>, vector<16xi32>,
    tpu.vector_store %arg8[%swap3A_109], %broadcast_in_dim3A_3 {strides = array<i32>} : memref<1024xi32, #tpu.memory_space<vmem>>, vector<16xi32>,
    %swap3A_111 = arith.constant 864 : index
    %swap3A_112 = tpu.vector_load %arg8[%swap3A_111] {strides = array<i32>} : memref<1024xi32, #tpu.memory_space<vmem>>, vector<16xi32>,
    tpu.vector_store %arg8[%swap3A_111], %broadcast_in_dim3A_3 {strides = array<i32>} : memref<1024xi32, #tpu.memory_space<vmem>>, vector<16xi32>,
    %swap3A_113 = arith.constant 880 : index
    %swap3A_114 = tpu.vector_load %arg8[%swap3A_113] {strides = array<i32>} : memref<1024xi32, #tpu.memory_space<vmem>>, vector<16xi32>,
    tpu.vector_store %arg8[%swap3A_113], %broadcast_in_dim3A_3 {strides = array<i32>} : memref<1024xi32, #tpu.memory_space<vmem>>, vector<16xi32>,
    %swap3A_115 = arith.constant 896 : index
    %swap3A_116 = tpu.vector_load %arg8[%swap3A_115] {strides = array<i32>} : memref<1024xi32, #tpu.memory_space<vmem>>, vector<16xi32>,
    tpu.vector_store %arg8[%swap3A_115], %broadcast_in_dim3A_3 {strides = array<i32>} : memref<1024xi32, #tpu.memory_space<vmem>>, vector<16xi32>,
    %swap3A_117 = arith.constant 912 : index
    %swap3A_118 = tpu.vector_load %arg8[%swap3A_117] {strides = array<i32>} : memref<1024xi32, #tpu.memory_space<vmem>>, vector<16xi32>,
    tpu.vector_store %arg8[%swap3A_117], %broadcast_in_dim3A_3 {strides = array<i32>} : memref<1024xi32, #tpu.memory_space<vmem>>, vector<16xi32>,
    %swap3A_119 = arith.constant 928 : index
    %swap3A_120 = tpu.vector_load %arg8[%swap3A_119] {strides = array<i32>} : memref<1024xi32, #tpu.memory_space<vmem>>, vector<16xi32>,
    tpu.vector_store %arg8[%swap3A_119], %broadcast_in_dim3A_3 {strides = array<i32>} : memref<1024xi32, #tpu.memory_space<vmem>>, vector<16xi32>,
    %swap3A_121 = arith.constant 944 : index
    %swap3A_122 = tpu.vector_load %arg8[%swap3A_121] {strides = array<i32>} : memref<1024xi32, #tpu.memory_space<vmem>>, vector<16xi32>,
    tpu.vector_store %arg8[%swap3A_121], %broadcast_in_dim3A_3 {strides = array<i32>} : memref<1024xi32, #tpu.memory_space<vmem>>, vector<16xi32>,
    %swap3A_123 = arith.constant 960 : index
    %swap3A_124 = tpu.vector_load %arg8[%swap3A_123] {strides = array<i32>} : memref<1024xi32, #tpu.memory_space<vmem>>, vector<16xi32>,
    tpu.vector_store %arg8[%swap3A_123], %broadcast_in_dim3A_3 {strides = array<i32>} : memref<1024xi32, #tpu.memory_space<vmem>>, vector<16xi32>,
    %swap3A_125 = arith.constant 976 : index
    %swap3A_126 = tpu.vector_load %arg8[%swap3A_125] {strides = array<i32>} : memref<1024xi32, #tpu.memory_space<vmem>>, vector<16xi32>,
    tpu.vector_store %arg8[%swap3A_125], %broadcast_in_dim3A_3 {strides = array<i32>} : memref<1024xi32, #tpu.memory_space<vmem>>, vector<16xi32>,
    %swap3A_127 = arith.constant 992 : index
    %swap3A_128 = tpu.vector_load %arg8[%swap3A_127] {strides = array<i32>} : memref<1024xi32, #tpu.memory_space<vmem>>, vector<16xi32>,
    tpu.vector_store %arg8[%swap3A_127], %broadcast_in_dim3A_3 {strides = array<i32>} : memref<1024xi32, #tpu.memory_space<vmem>>, vector<16xi32>,
    %swap3A_129 = arith.constant 1008 : index
    %swap3A_130 = tpu.vector_load %arg8[%swap3A_129] {strides = array<i32>} : memref<1024xi32, #tpu.memory_space<vmem>>, vector<16xi32>,
    tpu.vector_store %arg8[%swap3A_129], %broadcast_in_dim3A_3 {strides = array<i32>} : memref<1024xi32, #tpu.memory_space<vmem>>, vector<16xi32>,
    %mul3A_131 = arith.constant 64 : i32
    %mul3A_132 = vector.broadcast %mul3A_131 : i32 to vector<16xi32>
    %mul3A_133 = arith.muli %iota3A, %mul3A_132 : vector<16xi32>
    %scan3A = arith.constant 0 : i32
    %scan3A_134 = arith.constant 0 : i32
    %scan3A_135 = arith.constant 64 : i32
    %scan3A_136 = arith.addi %scan3A_134, %scan3A_135 : i32
    %scan3A_137 = arith.constant 1 : i32
    %scan3A_138 = scf.for %scan3A_661 = %scan3A_134 to %scan3A_136 step %scan3A_137 iter_args(%scan3A_662 = %scan3A) -> (i32)  : i32 {
      %mul3A_663 = arith.constant 4 : i32
      %mul3A_664 = arith.muli %scan3A_661, %mul3A_663 : i32
      %add3A_665 = arith.constant 0 : i32
      %add3A_666 = arith.addi %mul3A_664, %add3A_665 : i32
      %mul3A_667 = arith.constant 16 : i32
      %mul3A_668 = arith.muli %add3A_666, %mul3A_667 : i32
      %get3A_669 = arith.index_cast %mul3A_668 : i32 to index
      %get3A_670 = tpu.vector_load %arg5[%get3A_669] {strides = array<i32>} : memref<4096xi32, #tpu.memory_space<vmem>>, vector<16xi32>,
      %add3A_671 = arith.addi %mul3A_133, %get3A_670 : vector<16xi32>
      tpu.vector_store_idx %arg8[%add3A_671], %broadcast_in_dim3A_1 {add = true} : memref<1024xi32, #tpu.memory_space<vmem>>[vector<16xi32>], vector<16xi32>,
      %mul3A_672 = arith.constant 4 : i32
      %mul3A_673 = arith.muli %scan3A_661, %mul3A_672 : i32
      %add3A_674 = arith.constant 1 : i32
      %add3A_675 = arith.addi %mul3A_673, %add3A_674 : i32
      %mul3A_676 = arith.constant 16 : i32
      %mul3A_677 = arith.muli %add3A_675, %mul3A_676 : i32
      %get3A_678 = arith.index_cast %mul3A_677 : i32 to index
      %get3A_679 = tpu.vector_load %arg5[%get3A_678] {strides = array<i32>} : memref<4096xi32, #tpu.memory_space<vmem>>, vector<16xi32>,
      %add3A_680 = arith.addi %mul3A_133, %get3A_679 : vector<16xi32>
      tpu.vector_store_idx %arg8[%add3A_680], %broadcast_in_dim3A_1 {add = true} : memref<1024xi32, #tpu.memory_space<vmem>>[vector<16xi32>], vector<16xi32>,
      %mul3A_681 = arith.constant 4 : i32
      %mul3A_682 = arith.muli %scan3A_661, %mul3A_681 : i32
      %add3A_683 = arith.constant 2 : i32
      %add3A_684 = arith.addi %mul3A_682, %add3A_683 : i32
      %mul3A_685 = arith.constant 16 : i32
      %mul3A_686 = arith.muli %add3A_684, %mul3A_685 : i32
      %get3A_687 = arith.index_cast %mul3A_686 : i32 to index
      %get3A_688 = tpu.vector_load %arg5[%get3A_687] {strides = array<i32>} : memref<4096xi32, #tpu.memory_space<vmem>>, vector<16xi32>,
      %add3A_689 = arith.addi %mul3A_133, %get3A_688 : vector<16xi32>
      tpu.vector_store_idx %arg8[%add3A_689], %broadcast_in_dim3A_1 {add = true} : memref<1024xi32, #tpu.memory_space<vmem>>[vector<16xi32>], vector<16xi32>,
      %mul3A_690 = arith.constant 4 : i32
      %mul3A_691 = arith.muli %scan3A_661, %mul3A_690 : i32
      %add3A_692 = arith.constant 3 : i32
      %add3A_693 = arith.addi %mul3A_691, %add3A_692 : i32
      %mul3A_694 = arith.constant 16 : i32
      %mul3A_695 = arith.muli %add3A_693, %mul3A_694 : i32
      %get3A_696 = arith.index_cast %mul3A_695 : i32 to index
      %get3A_697 = tpu.vector_load %arg5[%get3A_696] {strides = array<i32>} : memref<4096xi32, #tpu.memory_space<vmem>>, vector<16xi32>,
      %add3A_698 = arith.addi %mul3A_133, %get3A_697 : vector<16xi32>
      tpu.vector_store_idx %arg8[%add3A_698], %broadcast_in_dim3A_1 {add = true} : memref<1024xi32, #tpu.memory_space<vmem>>[vector<16xi32>], vector<16xi32>,
      %scan3A_699 = arith.constant 0 : i32
      scf.yield %scan3A_699 : i32
    }
    %scan3A_139 = arith.constant 64 : i32
    %get3A = arith.constant 0 : index
    %get3A_140 = tpu.vector_load %arg8[%get3A] {strides = array<i32>} : memref<1024xi32, #tpu.memory_space<vmem>>, vector<16xi32>,
    %add3A_141 = arith.addi %broadcast_in_dim3A_3, %get3A_140 : vector<16xi32>
    %get3A_142 = arith.constant 64 : index
    %get3A_143 = tpu.vector_load %arg8[%get3A_142] {strides = array<i32>} : memref<1024xi32, #tpu.memory_space<vmem>>, vector<16xi32>,
    %add3A_144 = arith.addi %add3A_141, %get3A_143 : vector<16xi32>
    %get3A_145 = arith.constant 128 : index
    %get3A_146 = tpu.vector_load %arg8[%get3A_145] {strides = array<i32>} : memref<1024xi32, #tpu.memory_space<vmem>>, vector<16xi32>,
    %add3A_147 = arith.addi %add3A_144, %get3A_146 : vector<16xi32>
    %get3A_148 = arith.constant 192 : index
    %get3A_149 = tpu.vector_load %arg8[%get3A_148] {strides = array<i32>} : memref<1024xi32, #tpu.memory_space<vmem>>, vector<16xi32>,
    %add3A_150 = arith.addi %add3A_147, %get3A_149 : vector<16xi32>
    %get3A_151 = arith.constant 256 : index
    %get3A_152 = tpu.vector_load %arg8[%get3A_151] {strides = array<i32>} : memref<1024xi32, #tpu.memory_space<vmem>>, vector<16xi32>,
    %add3A_153 = arith.addi %add3A_150, %get3A_152 : vector<16xi32>
    %get3A_154 = arith.constant 320 : index
    %get3A_155 = tpu.vector_load %arg8[%get3A_154] {strides = array<i32>} : memref<1024xi32, #tpu.memory_space<vmem>>, vector<16xi32>,
    %add3A_156 = arith.addi %add3A_153, %get3A_155 : vector<16xi32>
    %get3A_157 = arith.constant 384 : index
    %get3A_158 = tpu.vector_load %arg8[%get3A_157] {strides = array<i32>} : memref<1024xi32, #tpu.memory_space<vmem>>, vector<16xi32>,
    %add3A_159 = arith.addi %add3A_156, %get3A_158 : vector<16xi32>
    %get3A_160 = arith.constant 448 : index
    %get3A_161 = tpu.vector_load %arg8[%get3A_160] {strides = array<i32>} : memref<1024xi32, #tpu.memory_space<vmem>>, vector<16xi32>,
    %add3A_162 = arith.addi %add3A_159, %get3A_161 : vector<16xi32>
    %get3A_163 = arith.constant 512 : index
    %get3A_164 = tpu.vector_load %arg8[%get3A_163] {strides = array<i32>} : memref<1024xi32, #tpu.memory_space<vmem>>, vector<16xi32>,
    %add3A_165 = arith.addi %add3A_162, %get3A_164 : vector<16xi32>
    %get3A_166 = arith.constant 576 : index
    %get3A_167 = tpu.vector_load %arg8[%get3A_166] {strides = array<i32>} : memref<1024xi32, #tpu.memory_space<vmem>>, vector<16xi32>,
    %add3A_168 = arith.addi %add3A_165, %get3A_167 : vector<16xi32>
    %get3A_169 = arith.constant 640 : index
    %get3A_170 = tpu.vector_load %arg8[%get3A_169] {strides = array<i32>} : memref<1024xi32, #tpu.memory_space<vmem>>, vector<16xi32>,
    %add3A_171 = arith.addi %add3A_168, %get3A_170 : vector<16xi32>
    %get3A_172 = arith.constant 704 : index
    %get3A_173 = tpu.vector_load %arg8[%get3A_172] {strides = array<i32>} : memref<1024xi32, #tpu.memory_space<vmem>>, vector<16xi32>,
    %add3A_174 = arith.addi %add3A_171, %get3A_173 : vector<16xi32>
    %get3A_175 = arith.constant 768 : index
    %get3A_176 = tpu.vector_load %arg8[%get3A_175] {strides = array<i32>} : memref<1024xi32, #tpu.memory_space<vmem>>, vector<16xi32>,
    %add3A_177 = arith.addi %add3A_174, %get3A_176 : vector<16xi32>
    %get3A_178 = arith.constant 832 : index
    %get3A_179 = tpu.vector_load %arg8[%get3A_178] {strides = array<i32>} : memref<1024xi32, #tpu.memory_space<vmem>>, vector<16xi32>,
    %add3A_180 = arith.addi %add3A_177, %get3A_179 : vector<16xi32>
    %get3A_181 = arith.constant 896 : index
    %get3A_182 = tpu.vector_load %arg8[%get3A_181] {strides = array<i32>} : memref<1024xi32, #tpu.memory_space<vmem>>, vector<16xi32>,
    %add3A_183 = arith.addi %add3A_180, %get3A_182 : vector<16xi32>
    %get3A_184 = arith.constant 960 : index
    %get3A_185 = tpu.vector_load %arg8[%get3A_184] {strides = array<i32>} : memref<1024xi32, #tpu.memory_space<vmem>>, vector<16xi32>,
    %add3A_186 = arith.addi %add3A_183, %get3A_185 : vector<16xi32>
    %broadcast_in_dim3A_187 = arith.constant true
    %broadcast_in_dim3A_188 = vector.broadcast %broadcast_in_dim3A_187 : i1 to vector<16xi1>
    %masked_cumsum3A = tpu.scan <sum>, %add3A_186 masked %broadcast_in_dim3A_188 : vector<16xi32>, vector<16xi1> -> vector<16xi32>
    %sub3A = arith.subi %masked_cumsum3A, %add3A_186 : vector<16xi32>
    %add3A_189 = arith.constant 0 : i32
    %add3A_190 = vector.broadcast %add3A_189 : i32 to vector<16xi32>
    %add3A_191 = arith.addi %sub3A, %add3A_190 : vector<16xi32>
    %add3A_192 = arith.addi %add3A_191, %add3A_186 : vector<16xi32>
    %reduce_sum3A = arith.constant true
    %reduce_sum3A_193 = vector.broadcast %reduce_sum3A : i1 to vector<16xi1>
    %reduce_sum3A_194 = tpu.scan <sum>, %add3A_186 masked %reduce_sum3A_193 : vector<16xi32>, vector<16xi1> -> vector<16xi32>
    %reduce_sum3A_195 = vector.extract %reduce_sum3A_194[15] : i32 from vector<16xi32>
    %add3A_196 = arith.constant 0 : i32
    %add3A_197 = arith.addi %add3A_196, %reduce_sum3A_195 : i32
    %swap3A_198 = arith.constant 0 : index
    %swap3A_199 = tpu.vector_load %arg9[%swap3A_198] {strides = array<i32>} : memref<64xi32, #tpu.memory_space<vmem>>, vector<16xi32>,
    tpu.vector_store %arg9[%swap3A_198], %add3A_191 {strides = array<i32>} : memref<64xi32, #tpu.memory_space<vmem>>, vector<16xi32>,
    %swap3A_200 = arith.constant 0 : index
    %swap3A_201 = tpu.vector_load %arg10[%swap3A_200] {strides = array<i32>} : memref<64xi32, #tpu.memory_space<vmem>>, vector<16xi32>,
    tpu.vector_store %arg10[%swap3A_200], %add3A_192 {strides = array<i32>} : memref<64xi32, #tpu.memory_space<vmem>>, vector<16xi32>,
    %add3A_202 = arith.constant 0 : i32
    %add3A_203 = vector.broadcast %add3A_202 : i32 to vector<16xi32>
    %add3A_204 = arith.addi %iota3A, %add3A_203 : vector<16xi32>
    %lt3A = arith.constant 64 : i32
    %lt3A_205 = vector.broadcast %lt3A : i32 to vector<16xi32>
    %lt3A_206 = arith.cmpi slt, %add3A_191, %lt3A_205 : vector<16xi32>
    %gt3A = arith.constant 64 : i32
    %gt3A_207 = vector.broadcast %gt3A : i32 to vector<16xi32>
    %gt3A_208 = arith.cmpi sgt, %add3A_192, %gt3A_207 : vector<16xi32>
    %and3A = arith.andi %lt3A_206, %gt3A_208 : vector<16xi1>
    %jit3A = arith.constant 1 : i32
    %jit3A_209 = arith.constant 0 : i32
    %broadcast_in_dim3A_210 = vector.broadcast %jit3A : i32 to vector<16xi32>
    %broadcast_in_dim3A_211 = vector.broadcast %jit3A_209 : i32 to vector<16xi32>
    %select_n3A = arith.select %and3A, %broadcast_in_dim3A_210, %broadcast_in_dim3A_211 : vector<16xi1>, vector<16xi32>
    %add3A_212 = arith.constant 1 : i32
    %add3A_213 = vector.broadcast %add3A_212 : i32 to vector<16xi32>
    %add3A_214 = arith.addi %add3A_204, %add3A_213 : vector<16xi32>
    %mul3A_215 = arith.muli %select_n3A, %add3A_214 : vector<16xi32>
    %reduce_sum3A_216 = arith.constant true
    %reduce_sum3A_217 = vector.broadcast %reduce_sum3A_216 : i1 to vector<16xi1>
    %reduce_sum3A_218 = tpu.scan <sum>, %mul3A_215 masked %reduce_sum3A_217 : vector<16xi32>, vector<16xi1> -> vector<16xi32>
    %reduce_sum3A_219 = vector.extract %reduce_sum3A_218[15] : i32 from vector<16xi32>
    %add3A_220 = arith.constant 0 : i32
    %add3A_221 = arith.addi %add3A_220, %reduce_sum3A_219 : i32
    %sub3A_222 = arith.constant 64 : i32
    %sub3A_223 = vector.broadcast %sub3A_222 : i32 to vector<16xi32>
    %sub3A_224 = arith.subi %sub3A_223, %add3A_191 : vector<16xi32>
    %mul3A_225 = arith.muli %select_n3A, %sub3A_224 : vector<16xi32>
    %reduce_sum3A_226 = arith.constant true
    %reduce_sum3A_227 = vector.broadcast %reduce_sum3A_226 : i1 to vector<16xi1>
    %reduce_sum3A_228 = tpu.scan <sum>, %mul3A_225 masked %reduce_sum3A_227 : vector<16xi32>, vector<16xi1> -> vector<16xi32>
    %reduce_sum3A_229 = vector.extract %reduce_sum3A_228[15] : i32 from vector<16xi32>
    %add3A_230 = arith.constant 0 : i32
    %add3A_231 = arith.addi %add3A_230, %reduce_sum3A_229 : i32
    %lt3A_232 = arith.constant 4032 : i32
    %lt3A_233 = vector.broadcast %lt3A_232 : i32 to vector<16xi32>
    %lt3A_234 = arith.cmpi slt, %add3A_191, %lt3A_233 : vector<16xi32>
    %gt3A_235 = arith.constant 4032 : i32
    %gt3A_236 = vector.broadcast %gt3A_235 : i32 to vector<16xi32>
    %gt3A_237 = arith.cmpi sgt, %add3A_192, %gt3A_236 : vector<16xi32>
    %and3A_238 = arith.andi %lt3A_234, %gt3A_237 : vector<16xi1>
    %jit3A_239 = arith.constant 1 : i32
    %jit3A_240 = arith.constant 0 : i32
    %broadcast_in_dim3A_241 = vector.broadcast %jit3A_239 : i32 to vector<16xi32>
    %broadcast_in_dim3A_242 = vector.broadcast %jit3A_240 : i32 to vector<16xi32>
    %select_n3A_243 = arith.select %and3A_238, %broadcast_in_dim3A_241, %broadcast_in_dim3A_242 : vector<16xi1>, vector<16xi32>
    %add3A_244 = arith.constant 1 : i32
    %add3A_245 = vector.broadcast %add3A_244 : i32 to vector<16xi32>
    %add3A_246 = arith.addi %add3A_204, %add3A_245 : vector<16xi32>
    %mul3A_247 = arith.muli %select_n3A_243, %add3A_246 : vector<16xi32>
    %reduce_sum3A_248 = arith.constant true
    %reduce_sum3A_249 = vector.broadcast %reduce_sum3A_248 : i1 to vector<16xi1>
    %reduce_sum3A_250 = tpu.scan <sum>, %mul3A_247 masked %reduce_sum3A_249 : vector<16xi32>, vector<16xi1> -> vector<16xi32>
    %reduce_sum3A_251 = vector.extract %reduce_sum3A_250[15] : i32 from vector<16xi32>
    %add3A_252 = arith.constant 0 : i32
    %add3A_253 = arith.addi %add3A_252, %reduce_sum3A_251 : i32
    %sub3A_254 = arith.constant 4032 : i32
    %sub3A_255 = vector.broadcast %sub3A_254 : i32 to vector<16xi32>
    %sub3A_256 = arith.subi %sub3A_255, %add3A_191 : vector<16xi32>
    %mul3A_257 = arith.muli %select_n3A_243, %sub3A_256 : vector<16xi32>
    %reduce_sum3A_258 = arith.constant true
    %reduce_sum3A_259 = vector.broadcast %reduce_sum3A_258 : i1 to vector<16xi1>
    %reduce_sum3A_260 = tpu.scan <sum>, %mul3A_257 masked %reduce_sum3A_259 : vector<16xi32>, vector<16xi1> -> vector<16xi32>
    %reduce_sum3A_261 = vector.extract %reduce_sum3A_260[15] : i32 from vector<16xi32>
    %add3A_262 = arith.constant 0 : i32
    %add3A_263 = arith.addi %add3A_262, %reduce_sum3A_261 : i32
    %get3A_264 = arith.constant 16 : index
    %get3A_265 = tpu.vector_load %arg8[%get3A_264] {strides = array<i32>} : memref<1024xi32, #tpu.memory_space<vmem>>, vector<16xi32>,
    %add3A_266 = arith.addi %broadcast_in_dim3A_3, %get3A_265 : vector<16xi32>
    %get3A_267 = arith.constant 80 : index
    %get3A_268 = tpu.vector_load %arg8[%get3A_267] {strides = array<i32>} : memref<1024xi32, #tpu.memory_space<vmem>>, vector<16xi32>,
    %add3A_269 = arith.addi %add3A_266, %get3A_268 : vector<16xi32>
    %get3A_270 = arith.constant 144 : index
    %get3A_271 = tpu.vector_load %arg8[%get3A_270] {strides = array<i32>} : memref<1024xi32, #tpu.memory_space<vmem>>, vector<16xi32>,
    %add3A_272 = arith.addi %add3A_269, %get3A_271 : vector<16xi32>
    %get3A_273 = arith.constant 208 : index
    %get3A_274 = tpu.vector_load %arg8[%get3A_273] {strides = array<i32>} : memref<1024xi32, #tpu.memory_space<vmem>>, vector<16xi32>,
    %add3A_275 = arith.addi %add3A_272, %get3A_274 : vector<16xi32>
    %get3A_276 = arith.constant 272 : index
    %get3A_277 = tpu.vector_load %arg8[%get3A_276] {strides = array<i32>} : memref<1024xi32, #tpu.memory_space<vmem>>, vector<16xi32>,
    %add3A_278 = arith.addi %add3A_275, %get3A_277 : vector<16xi32>
    %get3A_279 = arith.constant 336 : index
    %get3A_280 = tpu.vector_load %arg8[%get3A_279] {strides = array<i32>} : memref<1024xi32, #tpu.memory_space<vmem>>, vector<16xi32>,
    %add3A_281 = arith.addi %add3A_278, %get3A_280 : vector<16xi32>
    %get3A_282 = arith.constant 400 : index
    %get3A_283 = tpu.vector_load %arg8[%get3A_282] {strides = array<i32>} : memref<1024xi32, #tpu.memory_space<vmem>>, vector<16xi32>,
    %add3A_284 = arith.addi %add3A_281, %get3A_283 : vector<16xi32>
    %get3A_285 = arith.constant 464 : index
    %get3A_286 = tpu.vector_load %arg8[%get3A_285] {strides = array<i32>} : memref<1024xi32, #tpu.memory_space<vmem>>, vector<16xi32>,
    %add3A_287 = arith.addi %add3A_284, %get3A_286 : vector<16xi32>
    %get3A_288 = arith.constant 528 : index
    %get3A_289 = tpu.vector_load %arg8[%get3A_288] {strides = array<i32>} : memref<1024xi32, #tpu.memory_space<vmem>>, vector<16xi32>,
    %add3A_290 = arith.addi %add3A_287, %get3A_289 : vector<16xi32>
    %get3A_291 = arith.constant 592 : index
    %get3A_292 = tpu.vector_load %arg8[%get3A_291] {strides = array<i32>} : memref<1024xi32, #tpu.memory_space<vmem>>, vector<16xi32>,
    %add3A_293 = arith.addi %add3A_290, %get3A_292 : vector<16xi32>
    %get3A_294 = arith.constant 656 : index
    %get3A_295 = tpu.vector_load %arg8[%get3A_294] {strides = array<i32>} : memref<1024xi32, #tpu.memory_space<vmem>>, vector<16xi32>,
    %add3A_296 = arith.addi %add3A_293, %get3A_295 : vector<16xi32>
    %get3A_297 = arith.constant 720 : index
    %get3A_298 = tpu.vector_load %arg8[%get3A_297] {strides = array<i32>} : memref<1024xi32, #tpu.memory_space<vmem>>, vector<16xi32>,
    %add3A_299 = arith.addi %add3A_296, %get3A_298 : vector<16xi32>
    %get3A_300 = arith.constant 784 : index
    %get3A_301 = tpu.vector_load %arg8[%get3A_300] {strides = array<i32>} : memref<1024xi32, #tpu.memory_space<vmem>>, vector<16xi32>,
    %add3A_302 = arith.addi %add3A_299, %get3A_301 : vector<16xi32>
    %get3A_303 = arith.constant 848 : index
    %get3A_304 = tpu.vector_load %arg8[%get3A_303] {strides = array<i32>} : memref<1024xi32, #tpu.memory_space<vmem>>, vector<16xi32>,
    %add3A_305 = arith.addi %add3A_302, %get3A_304 : vector<16xi32>
    %get3A_306 = arith.constant 912 : index
    %get3A_307 = tpu.vector_load %arg8[%get3A_306] {strides = array<i32>} : memref<1024xi32, #tpu.memory_space<vmem>>, vector<16xi32>,
    %add3A_308 = arith.addi %add3A_305, %get3A_307 : vector<16xi32>
    %get3A_309 = arith.constant 976 : index
    %get3A_310 = tpu.vector_load %arg8[%get3A_309] {strides = array<i32>} : memref<1024xi32, #tpu.memory_space<vmem>>, vector<16xi32>,
    %add3A_311 = arith.addi %add3A_308, %get3A_310 : vector<16xi32>
    %broadcast_in_dim3A_312 = arith.constant true
    %broadcast_in_dim3A_313 = vector.broadcast %broadcast_in_dim3A_312 : i1 to vector<16xi1>
    %masked_cumsum3A_314 = tpu.scan <sum>, %add3A_311 masked %broadcast_in_dim3A_313 : vector<16xi32>, vector<16xi1> -> vector<16xi32>
    %sub3A_315 = arith.subi %masked_cumsum3A_314, %add3A_311 : vector<16xi32>
    %add3A_316 = vector.broadcast %add3A_197 : i32 to vector<16xi32>
    %add3A_317 = arith.addi %sub3A_315, %add3A_316 : vector<16xi32>
    %add3A_318 = arith.addi %add3A_317, %add3A_311 : vector<16xi32>
    %reduce_sum3A_319 = arith.constant true
    %reduce_sum3A_320 = vector.broadcast %reduce_sum3A_319 : i1 to vector<16xi1>
    %reduce_sum3A_321 = tpu.scan <sum>, %add3A_311 masked %reduce_sum3A_320 : vector<16xi32>, vector<16xi1> -> vector<16xi32>
    %reduce_sum3A_322 = vector.extract %reduce_sum3A_321[15] : i32 from vector<16xi32>
    %add3A_323 = arith.addi %add3A_197, %reduce_sum3A_322 : i32
    %swap3A_324 = arith.constant 16 : index
    %swap3A_325 = tpu.vector_load %arg9[%swap3A_324] {strides = array<i32>} : memref<64xi32, #tpu.memory_space<vmem>>, vector<16xi32>,
    tpu.vector_store %arg9[%swap3A_324], %add3A_317 {strides = array<i32>} : memref<64xi32, #tpu.memory_space<vmem>>, vector<16xi32>,
    %swap3A_326 = arith.constant 16 : index
    %swap3A_327 = tpu.vector_load %arg10[%swap3A_326] {strides = array<i32>} : memref<64xi32, #tpu.memory_space<vmem>>, vector<16xi32>,
    tpu.vector_store %arg10[%swap3A_326], %add3A_318 {strides = array<i32>} : memref<64xi32, #tpu.memory_space<vmem>>, vector<16xi32>,
    %add3A_328 = arith.constant 16 : i32
    %add3A_329 = vector.broadcast %add3A_328 : i32 to vector<16xi32>
    %add3A_330 = arith.addi %iota3A, %add3A_329 : vector<16xi32>
    %lt3A_331 = arith.constant 64 : i32
    %lt3A_332 = vector.broadcast %lt3A_331 : i32 to vector<16xi32>
    %lt3A_333 = arith.cmpi slt, %add3A_317, %lt3A_332 : vector<16xi32>
    %gt3A_334 = arith.constant 64 : i32
    %gt3A_335 = vector.broadcast %gt3A_334 : i32 to vector<16xi32>
    %gt3A_336 = arith.cmpi sgt, %add3A_318, %gt3A_335 : vector<16xi32>
    %and3A_337 = arith.andi %lt3A_333, %gt3A_336 : vector<16xi1>
    %jit3A_338 = arith.constant 1 : i32
    %jit3A_339 = arith.constant 0 : i32
    %broadcast_in_dim3A_340 = vector.broadcast %jit3A_338 : i32 to vector<16xi32>
    %broadcast_in_dim3A_341 = vector.broadcast %jit3A_339 : i32 to vector<16xi32>
    %select_n3A_342 = arith.select %and3A_337, %broadcast_in_dim3A_340, %broadcast_in_dim3A_341 : vector<16xi1>, vector<16xi32>
    %add3A_343 = arith.constant 1 : i32
    %add3A_344 = vector.broadcast %add3A_343 : i32 to vector<16xi32>
    %add3A_345 = arith.addi %add3A_330, %add3A_344 : vector<16xi32>
    %mul3A_346 = arith.muli %select_n3A_342, %add3A_345 : vector<16xi32>
    %reduce_sum3A_347 = arith.constant true
    %reduce_sum3A_348 = vector.broadcast %reduce_sum3A_347 : i1 to vector<16xi1>
    %reduce_sum3A_349 = tpu.scan <sum>, %mul3A_346 masked %reduce_sum3A_348 : vector<16xi32>, vector<16xi1> -> vector<16xi32>
    %reduce_sum3A_350 = vector.extract %reduce_sum3A_349[15] : i32 from vector<16xi32>
    %add3A_351 = arith.addi %add3A_221, %reduce_sum3A_350 : i32
    %sub3A_352 = arith.constant 64 : i32
    %sub3A_353 = vector.broadcast %sub3A_352 : i32 to vector<16xi32>
    %sub3A_354 = arith.subi %sub3A_353, %add3A_317 : vector<16xi32>
    %mul3A_355 = arith.muli %select_n3A_342, %sub3A_354 : vector<16xi32>
    %reduce_sum3A_356 = arith.constant true
    %reduce_sum3A_357 = vector.broadcast %reduce_sum3A_356 : i1 to vector<16xi1>
    %reduce_sum3A_358 = tpu.scan <sum>, %mul3A_355 masked %reduce_sum3A_357 : vector<16xi32>, vector<16xi1> -> vector<16xi32>
    %reduce_sum3A_359 = vector.extract %reduce_sum3A_358[15] : i32 from vector<16xi32>
    %add3A_360 = arith.addi %add3A_231, %reduce_sum3A_359 : i32
    %lt3A_361 = arith.constant 4032 : i32
    %lt3A_362 = vector.broadcast %lt3A_361 : i32 to vector<16xi32>
    %lt3A_363 = arith.cmpi slt, %add3A_317, %lt3A_362 : vector<16xi32>
    %gt3A_364 = arith.constant 4032 : i32
    %gt3A_365 = vector.broadcast %gt3A_364 : i32 to vector<16xi32>
    %gt3A_366 = arith.cmpi sgt, %add3A_318, %gt3A_365 : vector<16xi32>
    %and3A_367 = arith.andi %lt3A_363, %gt3A_366 : vector<16xi1>
    %jit3A_368 = arith.constant 1 : i32
    %jit3A_369 = arith.constant 0 : i32
    %broadcast_in_dim3A_370 = vector.broadcast %jit3A_368 : i32 to vector<16xi32>
    %broadcast_in_dim3A_371 = vector.broadcast %jit3A_369 : i32 to vector<16xi32>
    %select_n3A_372 = arith.select %and3A_367, %broadcast_in_dim3A_370, %broadcast_in_dim3A_371 : vector<16xi1>, vector<16xi32>
    %add3A_373 = arith.constant 1 : i32
    %add3A_374 = vector.broadcast %add3A_373 : i32 to vector<16xi32>
    %add3A_375 = arith.addi %add3A_330, %add3A_374 : vector<16xi32>
    %mul3A_376 = arith.muli %select_n3A_372, %add3A_375 : vector<16xi32>
    %reduce_sum3A_377 = arith.constant true
    %reduce_sum3A_378 = vector.broadcast %reduce_sum3A_377 : i1 to vector<16xi1>
    %reduce_sum3A_379 = tpu.scan <sum>, %mul3A_376 masked %reduce_sum3A_378 : vector<16xi32>, vector<16xi1> -> vector<16xi32>
    %reduce_sum3A_380 = vector.extract %reduce_sum3A_379[15] : i32 from vector<16xi32>
    %add3A_381 = arith.addi %add3A_253, %reduce_sum3A_380 : i32
    %sub3A_382 = arith.constant 4032 : i32
    %sub3A_383 = vector.broadcast %sub3A_382 : i32 to vector<16xi32>
    %sub3A_384 = arith.subi %sub3A_383, %add3A_317 : vector<16xi32>
    %mul3A_385 = arith.muli %select_n3A_372, %sub3A_384 : vector<16xi32>
    %reduce_sum3A_386 = arith.constant true
    %reduce_sum3A_387 = vector.broadcast %reduce_sum3A_386 : i1 to vector<16xi1>
    %reduce_sum3A_388 = tpu.scan <sum>, %mul3A_385 masked %reduce_sum3A_387 : vector<16xi32>, vector<16xi1> -> vector<16xi32>
    %reduce_sum3A_389 = vector.extract %reduce_sum3A_388[15] : i32 from vector<16xi32>
    %add3A_390 = arith.addi %add3A_263, %reduce_sum3A_389 : i32
    %get3A_391 = arith.constant 32 : index
    %get3A_392 = tpu.vector_load %arg8[%get3A_391] {strides = array<i32>} : memref<1024xi32, #tpu.memory_space<vmem>>, vector<16xi32>,
    %add3A_393 = arith.addi %broadcast_in_dim3A_3, %get3A_392 : vector<16xi32>
    %get3A_394 = arith.constant 96 : index
    %get3A_395 = tpu.vector_load %arg8[%get3A_394] {strides = array<i32>} : memref<1024xi32, #tpu.memory_space<vmem>>, vector<16xi32>,
    %add3A_396 = arith.addi %add3A_393, %get3A_395 : vector<16xi32>
    %get3A_397 = arith.constant 160 : index
    %get3A_398 = tpu.vector_load %arg8[%get3A_397] {strides = array<i32>} : memref<1024xi32, #tpu.memory_space<vmem>>, vector<16xi32>,
    %add3A_399 = arith.addi %add3A_396, %get3A_398 : vector<16xi32>
    %get3A_400 = arith.constant 224 : index
    %get3A_401 = tpu.vector_load %arg8[%get3A_400] {strides = array<i32>} : memref<1024xi32, #tpu.memory_space<vmem>>, vector<16xi32>,
    %add3A_402 = arith.addi %add3A_399, %get3A_401 : vector<16xi32>
    %get3A_403 = arith.constant 288 : index
    %get3A_404 = tpu.vector_load %arg8[%get3A_403] {strides = array<i32>} : memref<1024xi32, #tpu.memory_space<vmem>>, vector<16xi32>,
    %add3A_405 = arith.addi %add3A_402, %get3A_404 : vector<16xi32>
    %get3A_406 = arith.constant 352 : index
    %get3A_407 = tpu.vector_load %arg8[%get3A_406] {strides = array<i32>} : memref<1024xi32, #tpu.memory_space<vmem>>, vector<16xi32>,
    %add3A_408 = arith.addi %add3A_405, %get3A_407 : vector<16xi32>
    %get3A_409 = arith.constant 416 : index
    %get3A_410 = tpu.vector_load %arg8[%get3A_409] {strides = array<i32>} : memref<1024xi32, #tpu.memory_space<vmem>>, vector<16xi32>,
    %add3A_411 = arith.addi %add3A_408, %get3A_410 : vector<16xi32>
    %get3A_412 = arith.constant 480 : index
    %get3A_413 = tpu.vector_load %arg8[%get3A_412] {strides = array<i32>} : memref<1024xi32, #tpu.memory_space<vmem>>, vector<16xi32>,
    %add3A_414 = arith.addi %add3A_411, %get3A_413 : vector<16xi32>
    %get3A_415 = arith.constant 544 : index
    %get3A_416 = tpu.vector_load %arg8[%get3A_415] {strides = array<i32>} : memref<1024xi32, #tpu.memory_space<vmem>>, vector<16xi32>,
    %add3A_417 = arith.addi %add3A_414, %get3A_416 : vector<16xi32>
    %get3A_418 = arith.constant 608 : index
    %get3A_419 = tpu.vector_load %arg8[%get3A_418] {strides = array<i32>} : memref<1024xi32, #tpu.memory_space<vmem>>, vector<16xi32>,
    %add3A_420 = arith.addi %add3A_417, %get3A_419 : vector<16xi32>
    %get3A_421 = arith.constant 672 : index
    %get3A_422 = tpu.vector_load %arg8[%get3A_421] {strides = array<i32>} : memref<1024xi32, #tpu.memory_space<vmem>>, vector<16xi32>,
    %add3A_423 = arith.addi %add3A_420, %get3A_422 : vector<16xi32>
    %get3A_424 = arith.constant 736 : index
    %get3A_425 = tpu.vector_load %arg8[%get3A_424] {strides = array<i32>} : memref<1024xi32, #tpu.memory_space<vmem>>, vector<16xi32>,
    %add3A_426 = arith.addi %add3A_423, %get3A_425 : vector<16xi32>
    %get3A_427 = arith.constant 800 : index
    %get3A_428 = tpu.vector_load %arg8[%get3A_427] {strides = array<i32>} : memref<1024xi32, #tpu.memory_space<vmem>>, vector<16xi32>,
    %add3A_429 = arith.addi %add3A_426, %get3A_428 : vector<16xi32>
    %get3A_430 = arith.constant 864 : index
    %get3A_431 = tpu.vector_load %arg8[%get3A_430] {strides = array<i32>} : memref<1024xi32, #tpu.memory_space<vmem>>, vector<16xi32>,
    %add3A_432 = arith.addi %add3A_429, %get3A_431 : vector<16xi32>
    %get3A_433 = arith.constant 928 : index
    %get3A_434 = tpu.vector_load %arg8[%get3A_433] {strides = array<i32>} : memref<1024xi32, #tpu.memory_space<vmem>>, vector<16xi32>,
    %add3A_435 = arith.addi %add3A_432, %get3A_434 : vector<16xi32>
    %get3A_436 = arith.constant 992 : index
    %get3A_437 = tpu.vector_load %arg8[%get3A_436] {strides = array<i32>} : memref<1024xi32, #tpu.memory_space<vmem>>, vector<16xi32>,
    %add3A_438 = arith.addi %add3A_435, %get3A_437 : vector<16xi32>
    %broadcast_in_dim3A_439 = arith.constant true
    %broadcast_in_dim3A_440 = vector.broadcast %broadcast_in_dim3A_439 : i1 to vector<16xi1>
    %masked_cumsum3A_441 = tpu.scan <sum>, %add3A_438 masked %broadcast_in_dim3A_440 : vector<16xi32>, vector<16xi1> -> vector<16xi32>
    %sub3A_442 = arith.subi %masked_cumsum3A_441, %add3A_438 : vector<16xi32>
    %add3A_443 = vector.broadcast %add3A_323 : i32 to vector<16xi32>
    %add3A_444 = arith.addi %sub3A_442, %add3A_443 : vector<16xi32>
    %add3A_445 = arith.addi %add3A_444, %add3A_438 : vector<16xi32>
    %reduce_sum3A_446 = arith.constant true
    %reduce_sum3A_447 = vector.broadcast %reduce_sum3A_446 : i1 to vector<16xi1>
    %reduce_sum3A_448 = tpu.scan <sum>, %add3A_438 masked %reduce_sum3A_447 : vector<16xi32>, vector<16xi1> -> vector<16xi32>
    %reduce_sum3A_449 = vector.extract %reduce_sum3A_448[15] : i32 from vector<16xi32>
    %add3A_450 = arith.addi %add3A_323, %reduce_sum3A_449 : i32
    %swap3A_451 = arith.constant 32 : index
    %swap3A_452 = tpu.vector_load %arg9[%swap3A_451] {strides = array<i32>} : memref<64xi32, #tpu.memory_space<vmem>>, vector<16xi32>,
    tpu.vector_store %arg9[%swap3A_451], %add3A_444 {strides = array<i32>} : memref<64xi32, #tpu.memory_space<vmem>>, vector<16xi32>,
    %swap3A_453 = arith.constant 32 : index
    %swap3A_454 = tpu.vector_load %arg10[%swap3A_453] {strides = array<i32>} : memref<64xi32, #tpu.memory_space<vmem>>, vector<16xi32>,
    tpu.vector_store %arg10[%swap3A_453], %add3A_445 {strides = array<i32>} : memref<64xi32, #tpu.memory_space<vmem>>, vector<16xi32>,
    %add3A_455 = arith.constant 32 : i32
    %add3A_456 = vector.broadcast %add3A_455 : i32 to vector<16xi32>
    %add3A_457 = arith.addi %iota3A, %add3A_456 : vector<16xi32>
    %lt3A_458 = arith.constant 64 : i32
    %lt3A_459 = vector.broadcast %lt3A_458 : i32 to vector<16xi32>
    %lt3A_460 = arith.cmpi slt, %add3A_444, %lt3A_459 : vector<16xi32>
    %gt3A_461 = arith.constant 64 : i32
    %gt3A_462 = vector.broadcast %gt3A_461 : i32 to vector<16xi32>
    %gt3A_463 = arith.cmpi sgt, %add3A_445, %gt3A_462 : vector<16xi32>
    %and3A_464 = arith.andi %lt3A_460, %gt3A_463 : vector<16xi1>
    %jit3A_465 = arith.constant 1 : i32
    %jit3A_466 = arith.constant 0 : i32
    %broadcast_in_dim3A_467 = vector.broadcast %jit3A_465 : i32 to vector<16xi32>
    %broadcast_in_dim3A_468 = vector.broadcast %jit3A_466 : i32 to vector<16xi32>
    %select_n3A_469 = arith.select %and3A_464, %broadcast_in_dim3A_467, %broadcast_in_dim3A_468 : vector<16xi1>, vector<16xi32>
    %add3A_470 = arith.constant 1 : i32
    %add3A_471 = vector.broadcast %add3A_470 : i32 to vector<16xi32>
    %add3A_472 = arith.addi %add3A_457, %add3A_471 : vector<16xi32>
    %mul3A_473 = arith.muli %select_n3A_469, %add3A_472 : vector<16xi32>
    %reduce_sum3A_474 = arith.constant true
    %reduce_sum3A_475 = vector.broadcast %reduce_sum3A_474 : i1 to vector<16xi1>
    %reduce_sum3A_476 = tpu.scan <sum>, %mul3A_473 masked %reduce_sum3A_475 : vector<16xi32>, vector<16xi1> -> vector<16xi32>
    %reduce_sum3A_477 = vector.extract %reduce_sum3A_476[15] : i32 from vector<16xi32>
    %add3A_478 = arith.addi %add3A_351, %reduce_sum3A_477 : i32
    %sub3A_479 = arith.constant 64 : i32
    %sub3A_480 = vector.broadcast %sub3A_479 : i32 to vector<16xi32>
    %sub3A_481 = arith.subi %sub3A_480, %add3A_444 : vector<16xi32>
    %mul3A_482 = arith.muli %select_n3A_469, %sub3A_481 : vector<16xi32>
    %reduce_sum3A_483 = arith.constant true
    %reduce_sum3A_484 = vector.broadcast %reduce_sum3A_483 : i1 to vector<16xi1>
    %reduce_sum3A_485 = tpu.scan <sum>, %mul3A_482 masked %reduce_sum3A_484 : vector<16xi32>, vector<16xi1> -> vector<16xi32>
    %reduce_sum3A_486 = vector.extract %reduce_sum3A_485[15] : i32 from vector<16xi32>
    %add3A_487 = arith.addi %add3A_360, %reduce_sum3A_486 : i32
    %lt3A_488 = arith.constant 4032 : i32
    %lt3A_489 = vector.broadcast %lt3A_488 : i32 to vector<16xi32>
    %lt3A_490 = arith.cmpi slt, %add3A_444, %lt3A_489 : vector<16xi32>
    %gt3A_491 = arith.constant 4032 : i32
    %gt3A_492 = vector.broadcast %gt3A_491 : i32 to vector<16xi32>
    %gt3A_493 = arith.cmpi sgt, %add3A_445, %gt3A_492 : vector<16xi32>
    %and3A_494 = arith.andi %lt3A_490, %gt3A_493 : vector<16xi1>
    %jit3A_495 = arith.constant 1 : i32
    %jit3A_496 = arith.constant 0 : i32
    %broadcast_in_dim3A_497 = vector.broadcast %jit3A_495 : i32 to vector<16xi32>
    %broadcast_in_dim3A_498 = vector.broadcast %jit3A_496 : i32 to vector<16xi32>
    %select_n3A_499 = arith.select %and3A_494, %broadcast_in_dim3A_497, %broadcast_in_dim3A_498 : vector<16xi1>, vector<16xi32>
    %add3A_500 = arith.constant 1 : i32
    %add3A_501 = vector.broadcast %add3A_500 : i32 to vector<16xi32>
    %add3A_502 = arith.addi %add3A_457, %add3A_501 : vector<16xi32>
    %mul3A_503 = arith.muli %select_n3A_499, %add3A_502 : vector<16xi32>
    %reduce_sum3A_504 = arith.constant true
    %reduce_sum3A_505 = vector.broadcast %reduce_sum3A_504 : i1 to vector<16xi1>
    %reduce_sum3A_506 = tpu.scan <sum>, %mul3A_503 masked %reduce_sum3A_505 : vector<16xi32>, vector<16xi1> -> vector<16xi32>
    %reduce_sum3A_507 = vector.extract %reduce_sum3A_506[15] : i32 from vector<16xi32>
    %add3A_508 = arith.addi %add3A_381, %reduce_sum3A_507 : i32
    %sub3A_509 = arith.constant 4032 : i32
    %sub3A_510 = vector.broadcast %sub3A_509 : i32 to vector<16xi32>
    %sub3A_511 = arith.subi %sub3A_510, %add3A_444 : vector<16xi32>
    %mul3A_512 = arith.muli %select_n3A_499, %sub3A_511 : vector<16xi32>
    %reduce_sum3A_513 = arith.constant true
    %reduce_sum3A_514 = vector.broadcast %reduce_sum3A_513 : i1 to vector<16xi1>
    %reduce_sum3A_515 = tpu.scan <sum>, %mul3A_512 masked %reduce_sum3A_514 : vector<16xi32>, vector<16xi1> -> vector<16xi32>
    %reduce_sum3A_516 = vector.extract %reduce_sum3A_515[15] : i32 from vector<16xi32>
    %add3A_517 = arith.addi %add3A_390, %reduce_sum3A_516 : i32
    %get3A_518 = arith.constant 48 : index
    %get3A_519 = tpu.vector_load %arg8[%get3A_518] {strides = array<i32>} : memref<1024xi32, #tpu.memory_space<vmem>>, vector<16xi32>,
    %add3A_520 = arith.addi %broadcast_in_dim3A_3, %get3A_519 : vector<16xi32>
    %get3A_521 = arith.constant 112 : index
    %get3A_522 = tpu.vector_load %arg8[%get3A_521] {strides = array<i32>} : memref<1024xi32, #tpu.memory_space<vmem>>, vector<16xi32>,
    %add3A_523 = arith.addi %add3A_520, %get3A_522 : vector<16xi32>
    %get3A_524 = arith.constant 176 : index
    %get3A_525 = tpu.vector_load %arg8[%get3A_524] {strides = array<i32>} : memref<1024xi32, #tpu.memory_space<vmem>>, vector<16xi32>,
    %add3A_526 = arith.addi %add3A_523, %get3A_525 : vector<16xi32>
    %get3A_527 = arith.constant 240 : index
    %get3A_528 = tpu.vector_load %arg8[%get3A_527] {strides = array<i32>} : memref<1024xi32, #tpu.memory_space<vmem>>, vector<16xi32>,
    %add3A_529 = arith.addi %add3A_526, %get3A_528 : vector<16xi32>
    %get3A_530 = arith.constant 304 : index
    %get3A_531 = tpu.vector_load %arg8[%get3A_530] {strides = array<i32>} : memref<1024xi32, #tpu.memory_space<vmem>>, vector<16xi32>,
    %add3A_532 = arith.addi %add3A_529, %get3A_531 : vector<16xi32>
    %get3A_533 = arith.constant 368 : index
    %get3A_534 = tpu.vector_load %arg8[%get3A_533] {strides = array<i32>} : memref<1024xi32, #tpu.memory_space<vmem>>, vector<16xi32>,
    %add3A_535 = arith.addi %add3A_532, %get3A_534 : vector<16xi32>
    %get3A_536 = arith.constant 432 : index
    %get3A_537 = tpu.vector_load %arg8[%get3A_536] {strides = array<i32>} : memref<1024xi32, #tpu.memory_space<vmem>>, vector<16xi32>,
    %add3A_538 = arith.addi %add3A_535, %get3A_537 : vector<16xi32>
    %get3A_539 = arith.constant 496 : index
    %get3A_540 = tpu.vector_load %arg8[%get3A_539] {strides = array<i32>} : memref<1024xi32, #tpu.memory_space<vmem>>, vector<16xi32>,
    %add3A_541 = arith.addi %add3A_538, %get3A_540 : vector<16xi32>
    %get3A_542 = arith.constant 560 : index
    %get3A_543 = tpu.vector_load %arg8[%get3A_542] {strides = array<i32>} : memref<1024xi32, #tpu.memory_space<vmem>>, vector<16xi32>,
    %add3A_544 = arith.addi %add3A_541, %get3A_543 : vector<16xi32>
    %get3A_545 = arith.constant 624 : index
    %get3A_546 = tpu.vector_load %arg8[%get3A_545] {strides = array<i32>} : memref<1024xi32, #tpu.memory_space<vmem>>, vector<16xi32>,
    %add3A_547 = arith.addi %add3A_544, %get3A_546 : vector<16xi32>
    %get3A_548 = arith.constant 688 : index
    %get3A_549 = tpu.vector_load %arg8[%get3A_548] {strides = array<i32>} : memref<1024xi32, #tpu.memory_space<vmem>>, vector<16xi32>,
    %add3A_550 = arith.addi %add3A_547, %get3A_549 : vector<16xi32>
    %get3A_551 = arith.constant 752 : index
    %get3A_552 = tpu.vector_load %arg8[%get3A_551] {strides = array<i32>} : memref<1024xi32, #tpu.memory_space<vmem>>, vector<16xi32>,
    %add3A_553 = arith.addi %add3A_550, %get3A_552 : vector<16xi32>
    %get3A_554 = arith.constant 816 : index
    %get3A_555 = tpu.vector_load %arg8[%get3A_554] {strides = array<i32>} : memref<1024xi32, #tpu.memory_space<vmem>>, vector<16xi32>,
    %add3A_556 = arith.addi %add3A_553, %get3A_555 : vector<16xi32>
    %get3A_557 = arith.constant 880 : index
    %get3A_558 = tpu.vector_load %arg8[%get3A_557] {strides = array<i32>} : memref<1024xi32, #tpu.memory_space<vmem>>, vector<16xi32>,
    %add3A_559 = arith.addi %add3A_556, %get3A_558 : vector<16xi32>
    %get3A_560 = arith.constant 944 : index
    %get3A_561 = tpu.vector_load %arg8[%get3A_560] {strides = array<i32>} : memref<1024xi32, #tpu.memory_space<vmem>>, vector<16xi32>,
    %add3A_562 = arith.addi %add3A_559, %get3A_561 : vector<16xi32>
    %get3A_563 = arith.constant 1008 : index
    %get3A_564 = tpu.vector_load %arg8[%get3A_563] {strides = array<i32>} : memref<1024xi32, #tpu.memory_space<vmem>>, vector<16xi32>,
    %add3A_565 = arith.addi %add3A_562, %get3A_564 : vector<16xi32>
    %broadcast_in_dim3A_566 = arith.constant true
    %broadcast_in_dim3A_567 = vector.broadcast %broadcast_in_dim3A_566 : i1 to vector<16xi1>
    %masked_cumsum3A_568 = tpu.scan <sum>, %add3A_565 masked %broadcast_in_dim3A_567 : vector<16xi32>, vector<16xi1> -> vector<16xi32>
    %sub3A_569 = arith.subi %masked_cumsum3A_568, %add3A_565 : vector<16xi32>
    %add3A_570 = vector.broadcast %add3A_450 : i32 to vector<16xi32>
    %add3A_571 = arith.addi %sub3A_569, %add3A_570 : vector<16xi32>
    %add3A_572 = arith.addi %add3A_571, %add3A_565 : vector<16xi32>
    %reduce_sum3A_573 = arith.constant true
    %reduce_sum3A_574 = vector.broadcast %reduce_sum3A_573 : i1 to vector<16xi1>
    %reduce_sum3A_575 = tpu.scan <sum>, %add3A_565 masked %reduce_sum3A_574 : vector<16xi32>, vector<16xi1> -> vector<16xi32>
    %reduce_sum3A_576 = vector.extract %reduce_sum3A_575[15] : i32 from vector<16xi32>
    %add3A_577 = arith.addi %add3A_450, %reduce_sum3A_576 : i32
    %swap3A_578 = arith.constant 48 : index
    %swap3A_579 = tpu.vector_load %arg9[%swap3A_578] {strides = array<i32>} : memref<64xi32, #tpu.memory_space<vmem>>, vector<16xi32>,
    tpu.vector_store %arg9[%swap3A_578], %add3A_571 {strides = array<i32>} : memref<64xi32, #tpu.memory_space<vmem>>, vector<16xi32>,
    %swap3A_580 = arith.constant 48 : index
    %swap3A_581 = tpu.vector_load %arg10[%swap3A_580] {strides = array<i32>} : memref<64xi32, #tpu.memory_space<vmem>>, vector<16xi32>,
    tpu.vector_store %arg10[%swap3A_580], %add3A_572 {strides = array<i32>} : memref<64xi32, #tpu.memory_space<vmem>>, vector<16xi32>,
    %add3A_582 = arith.constant 48 : i32
    %add3A_583 = vector.broadcast %add3A_582 : i32 to vector<16xi32>
    %add3A_584 = arith.addi %iota3A, %add3A_583 : vector<16xi32>
    %lt3A_585 = arith.constant 64 : i32
    %lt3A_586 = vector.broadcast %lt3A_585 : i32 to vector<16xi32>
    %lt3A_587 = arith.cmpi slt, %add3A_571, %lt3A_586 : vector<16xi32>
    %gt3A_588 = arith.constant 64 : i32
    %gt3A_589 = vector.broadcast %gt3A_588 : i32 to vector<16xi32>
    %gt3A_590 = arith.cmpi sgt, %add3A_572, %gt3A_589 : vector<16xi32>
    %and3A_591 = arith.andi %lt3A_587, %gt3A_590 : vector<16xi1>
    %jit3A_592 = arith.constant 1 : i32
    %jit3A_593 = arith.constant 0 : i32
    %broadcast_in_dim3A_594 = vector.broadcast %jit3A_592 : i32 to vector<16xi32>
    %broadcast_in_dim3A_595 = vector.broadcast %jit3A_593 : i32 to vector<16xi32>
    %select_n3A_596 = arith.select %and3A_591, %broadcast_in_dim3A_594, %broadcast_in_dim3A_595 : vector<16xi1>, vector<16xi32>
    %add3A_597 = arith.constant 1 : i32
    %add3A_598 = vector.broadcast %add3A_597 : i32 to vector<16xi32>
    %add3A_599 = arith.addi %add3A_584, %add3A_598 : vector<16xi32>
    %mul3A_600 = arith.muli %select_n3A_596, %add3A_599 : vector<16xi32>
    %reduce_sum3A_601 = arith.constant true
    %reduce_sum3A_602 = vector.broadcast %reduce_sum3A_601 : i1 to vector<16xi1>
    %reduce_sum3A_603 = tpu.scan <sum>, %mul3A_600 masked %reduce_sum3A_602 : vector<16xi32>, vector<16xi1> -> vector<16xi32>
    %reduce_sum3A_604 = vector.extract %reduce_sum3A_603[15] : i32 from vector<16xi32>
    %add3A_605 = arith.addi %add3A_478, %reduce_sum3A_604 : i32
    %sub3A_606 = arith.constant 64 : i32
    %sub3A_607 = vector.broadcast %sub3A_606 : i32 to vector<16xi32>
    %sub3A_608 = arith.subi %sub3A_607, %add3A_571 : vector<16xi32>
    %mul3A_609 = arith.muli %select_n3A_596, %sub3A_608 : vector<16xi32>
    %reduce_sum3A_610 = arith.constant true
    %reduce_sum3A_611 = vector.broadcast %reduce_sum3A_610 : i1 to vector<16xi1>
    %reduce_sum3A_612 = tpu.scan <sum>, %mul3A_609 masked %reduce_sum3A_611 : vector<16xi32>, vector<16xi1> -> vector<16xi32>
    %reduce_sum3A_613 = vector.extract %reduce_sum3A_612[15] : i32 from vector<16xi32>
    %add3A_614 = arith.addi %add3A_487, %reduce_sum3A_613 : i32
    %lt3A_615 = arith.constant 4032 : i32
    %lt3A_616 = vector.broadcast %lt3A_615 : i32 to vector<16xi32>
    %lt3A_617 = arith.cmpi slt, %add3A_571, %lt3A_616 : vector<16xi32>
    %gt3A_618 = arith.constant 4032 : i32
    %gt3A_619 = vector.broadcast %gt3A_618 : i32 to vector<16xi32>
    %gt3A_620 = arith.cmpi sgt, %add3A_572, %gt3A_619 : vector<16xi32>
    %and3A_621 = arith.andi %lt3A_617, %gt3A_620 : vector<16xi1>
    %jit3A_622 = arith.constant 1 : i32
    %jit3A_623 = arith.constant 0 : i32
    %broadcast_in_dim3A_624 = vector.broadcast %jit3A_622 : i32 to vector<16xi32>
    %broadcast_in_dim3A_625 = vector.broadcast %jit3A_623 : i32 to vector<16xi32>
    %select_n3A_626 = arith.select %and3A_621, %broadcast_in_dim3A_624, %broadcast_in_dim3A_625 : vector<16xi1>, vector<16xi32>
    %add3A_627 = arith.constant 1 : i32
    %add3A_628 = vector.broadcast %add3A_627 : i32 to vector<16xi32>
    %add3A_629 = arith.addi %add3A_584, %add3A_628 : vector<16xi32>
    %mul3A_630 = arith.muli %select_n3A_626, %add3A_629 : vector<16xi32>
    %reduce_sum3A_631 = arith.constant true
    %reduce_sum3A_632 = vector.broadcast %reduce_sum3A_631 : i1 to vector<16xi1>
    %reduce_sum3A_633 = tpu.scan <sum>, %mul3A_630 masked %reduce_sum3A_632 : vector<16xi32>, vector<16xi1> -> vector<16xi32>
    %reduce_sum3A_634 = vector.extract %reduce_sum3A_633[15] : i32 from vector<16xi32>
    %add3A_635 = arith.addi %add3A_508, %reduce_sum3A_634 : i32
    %sub3A_636 = arith.constant 4032 : i32
    %sub3A_637 = vector.broadcast %sub3A_636 : i32 to vector<16xi32>
    %sub3A_638 = arith.subi %sub3A_637, %add3A_571 : vector<16xi32>
    %mul3A_639 = arith.muli %select_n3A_626, %sub3A_638 : vector<16xi32>
    %reduce_sum3A_640 = arith.constant true
    %reduce_sum3A_641 = vector.broadcast %reduce_sum3A_640 : i1 to vector<16xi1>
    %reduce_sum3A_642 = tpu.scan <sum>, %mul3A_639 masked %reduce_sum3A_641 : vector<16xi32>, vector<16xi1> -> vector<16xi32>
    %reduce_sum3A_643 = vector.extract %reduce_sum3A_642[15] : i32 from vector<16xi32>
    %add3A_644 = arith.addi %add3A_517, %reduce_sum3A_643 : i32
    %sub3A_645 = arith.constant 1 : i32
    %sub3A_646 = arith.subi %add3A_605, %sub3A_645 : i32
    %broadcast_in_dim3A_647 = vector.broadcast %sub3A_646 : i32 to vector<16xi32>
    %sub3A_648 = arith.constant 1 : i32
    %sub3A_649 = arith.subi %add3A_635, %sub3A_648 : i32
    %broadcast_in_dim3A_650 = vector.broadcast %sub3A_649 : i32 to vector<16xi32>
    %broadcast_in_dim3A_651 = vector.broadcast %add3A_614 : i32 to vector<16xi32>
    %broadcast_in_dim3A_652 = vector.broadcast %add3A_644 : i32 to vector<16xi32>
    %scan3A_653 = arith.constant 0 : i32
    %scan3A_654 = arith.constant 0 : i32
    %scan3A_655 = arith.constant 0 : i32
    %scan3A_656 = arith.constant 64 : i32
    %scan3A_657 = arith.addi %scan3A_655, %scan3A_656 : i32
    %scan3A_658 = arith.constant 1 : i32
    %scan3A_659:2 = scf.for %scan3A_661 = %scan3A_655 to %scan3A_657 step %scan3A_658 iter_args(%scan3A_662 = %scan3A_653, %scan3A_663 = %scan3A_654) -> (i32, i32)  : i32 {
      %mul3A_664 = arith.constant 4 : i32
      %mul3A_665 = arith.muli %scan3A_661, %mul3A_664 : i32
      %add3A_666 = arith.constant 0 : i32
      %add3A_667 = arith.addi %mul3A_665, %add3A_666 : i32
      %mul3A_668 = arith.constant 16 : i32
      %mul3A_669 = arith.muli %add3A_667, %mul3A_668 : i32
      %get3A_670 = arith.index_cast %mul3A_669 : i32 to index
      %get3A_671 = tpu.vector_load %arg5[%get3A_670] {strides = array<i32>} : memref<4096xi32, #tpu.memory_space<vmem>>, vector<16xi32>,
      %gather3A = tpu.vector_load_idx %arg9[%get3A_671] : memref<64xi32, #tpu.memory_space<vmem>>[vector<16xi32>], vector<16xi32>,
      %gather3A_672 = tpu.vector_load_idx %arg10[%get3A_671] : memref<64xi32, #tpu.memory_space<vmem>>[vector<16xi32>], vector<16xi32>,
      %eq3A = arith.cmpi eq, %get3A_671, %broadcast_in_dim3A_647 : vector<16xi32>
      %eq3A_673 = arith.cmpi eq, %get3A_671, %broadcast_in_dim3A_650 : vector<16xi32>
      %jit3A_674 = arith.constant 1 : i32
      %jit3A_675 = arith.constant 0 : i32
      %broadcast_in_dim3A_676 = vector.broadcast %jit3A_674 : i32 to vector<16xi32>
      %broadcast_in_dim3A_677 = vector.broadcast %jit3A_675 : i32 to vector<16xi32>
      %select_n3A_678 = arith.select %eq3A, %broadcast_in_dim3A_676, %broadcast_in_dim3A_677 : vector<16xi1>, vector<16xi32>
      %jit3A_679 = arith.constant 1 : i32
      %jit3A_680 = arith.constant 0 : i32
      %broadcast_in_dim3A_681 = vector.broadcast %jit3A_679 : i32 to vector<16xi32>
      %broadcast_in_dim3A_682 = vector.broadcast %jit3A_680 : i32 to vector<16xi32>
      %select_n3A_683 = arith.select %eq3A_673, %broadcast_in_dim3A_681, %broadcast_in_dim3A_682 : vector<16xi1>, vector<16xi32>
      %broadcast_in_dim3A_684 = arith.constant true
      %broadcast_in_dim3A_685 = vector.broadcast %broadcast_in_dim3A_684 : i1 to vector<16xi1>
      %masked_cumsum3A_686 = tpu.scan <sum>, %select_n3A_678 masked %broadcast_in_dim3A_685 : vector<16xi32>, vector<16xi1> -> vector<16xi32>
      %sub3A_687 = arith.subi %masked_cumsum3A_686, %select_n3A_678 : vector<16xi32>
      %add3A_688 = vector.broadcast %scan3A_662 : i32 to vector<16xi32>
      %add3A_689 = arith.addi %sub3A_687, %add3A_688 : vector<16xi32>
      %broadcast_in_dim3A_690 = arith.constant true
      %broadcast_in_dim3A_691 = vector.broadcast %broadcast_in_dim3A_690 : i1 to vector<16xi1>
      %masked_cumsum3A_692 = tpu.scan <sum>, %select_n3A_683 masked %broadcast_in_dim3A_691 : vector<16xi32>, vector<16xi1> -> vector<16xi32>
      %sub3A_693 = arith.subi %masked_cumsum3A_692, %select_n3A_683 : vector<16xi32>
      %add3A_694 = vector.broadcast %scan3A_663 : i32 to vector<16xi32>
      %add3A_695 = arith.addi %sub3A_693, %add3A_694 : vector<16xi32>
      %le3A = arith.constant 64 : i32
      %le3A_696 = vector.broadcast %le3A : i32 to vector<16xi32>
      %le3A_697 = arith.cmpi sle, %gather3A_672, %le3A_696 : vector<16xi32>
      %lt3A_698 = arith.cmpi slt, %add3A_689, %broadcast_in_dim3A_651 : vector<16xi32>
      %and3A_699 = arith.andi %eq3A, %lt3A_698 : vector<16xi1>
      %or3A = arith.ori %le3A_697, %and3A_699 : vector<16xi1>
      %ge3A = arith.constant 4032 : i32
      %ge3A_700 = vector.broadcast %ge3A : i32 to vector<16xi32>
      %ge3A_701 = arith.cmpi sge, %gather3A, %ge3A_700 : vector<16xi32>
      %ge3A_702 = arith.cmpi sge, %add3A_695, %broadcast_in_dim3A_652 : vector<16xi32>
      %and3A_703 = arith.andi %eq3A_673, %ge3A_702 : vector<16xi1>
      %or3A_704 = arith.ori %ge3A_701, %and3A_703 : vector<16xi1>
      %jit3A_705 = arith.constant 1.000000e+00 : f32
      %jit3A_706 = arith.constant 0.000000e+00 : f32
      %broadcast_in_dim3A_707 = vector.broadcast %jit3A_705 : f32 to vector<16xf32>
      %broadcast_in_dim3A_708 = vector.broadcast %jit3A_706 : f32 to vector<16xf32>
      %select_n3A_709 = arith.select %or3A, %broadcast_in_dim3A_707, %broadcast_in_dim3A_708 : vector<16xi1>, vector<16xf32>
      %mul3A_710 = arith.constant 4 : i32
      %mul3A_711 = arith.muli %scan3A_661, %mul3A_710 : i32
      %add3A_712 = arith.constant 0 : i32
      %add3A_713 = arith.addi %mul3A_711, %add3A_712 : i32
      %mul3A_714 = arith.constant 16 : i32
      %mul3A_715 = arith.muli %add3A_713, %mul3A_714 : i32
      %swap3A_716 = arith.index_cast %mul3A_715 : i32 to index
      %swap3A_717 = tpu.vector_load %arg6[%swap3A_716] {strides = array<i32>} : memref<4096xf32, #tpu.memory_space<vmem>>, vector<16xf32>,
      tpu.vector_store %arg6[%swap3A_716], %select_n3A_709 {strides = array<i32>} : memref<4096xf32, #tpu.memory_space<vmem>>, vector<16xf32>,
      %jit3A_718 = arith.constant 1.000000e+00 : f32
      %jit3A_719 = arith.constant 0.000000e+00 : f32
      %broadcast_in_dim3A_720 = vector.broadcast %jit3A_718 : f32 to vector<16xf32>
      %broadcast_in_dim3A_721 = vector.broadcast %jit3A_719 : f32 to vector<16xf32>
      %select_n3A_722 = arith.select %or3A_704, %broadcast_in_dim3A_720, %broadcast_in_dim3A_721 : vector<16xi1>, vector<16xf32>
      %mul3A_723 = arith.constant 4 : i32
      %mul3A_724 = arith.muli %scan3A_661, %mul3A_723 : i32
      %add3A_725 = arith.constant 0 : i32
      %add3A_726 = arith.addi %mul3A_724, %add3A_725 : i32
      %mul3A_727 = arith.constant 16 : i32
      %mul3A_728 = arith.muli %add3A_726, %mul3A_727 : i32
      %swap3A_729 = arith.index_cast %mul3A_728 : i32 to index
      %swap3A_730 = tpu.vector_load %arg7[%swap3A_729] {strides = array<i32>} : memref<4096xf32, #tpu.memory_space<vmem>>, vector<16xf32>,
      tpu.vector_store %arg7[%swap3A_729], %select_n3A_722 {strides = array<i32>} : memref<4096xf32, #tpu.memory_space<vmem>>, vector<16xf32>,
      %reduce_sum3A_731 = arith.constant true
      %reduce_sum3A_732 = vector.broadcast %reduce_sum3A_731 : i1 to vector<16xi1>
      %reduce_sum3A_733 = tpu.scan <sum>, %select_n3A_678 masked %reduce_sum3A_732 : vector<16xi32>, vector<16xi1> -> vector<16xi32>
      %reduce_sum3A_734 = vector.extract %reduce_sum3A_733[15] : i32 from vector<16xi32>
      %add3A_735 = arith.addi %scan3A_662, %reduce_sum3A_734 : i32
      %reduce_sum3A_736 = arith.constant true
      %reduce_sum3A_737 = vector.broadcast %reduce_sum3A_736 : i1 to vector<16xi1>
      %reduce_sum3A_738 = tpu.scan <sum>, %select_n3A_683 masked %reduce_sum3A_737 : vector<16xi32>, vector<16xi1> -> vector<16xi32>
      %reduce_sum3A_739 = vector.extract %reduce_sum3A_738[15] : i32 from vector<16xi32>
      %add3A_740 = arith.addi %scan3A_663, %reduce_sum3A_739 : i32
      %mul3A_741 = arith.constant 4 : i32
      %mul3A_742 = arith.muli %scan3A_661, %mul3A_741 : i32
      %add3A_743 = arith.constant 1 : i32
      %add3A_744 = arith.addi %mul3A_742, %add3A_743 : i32
      %mul3A_745 = arith.constant 16 : i32
      %mul3A_746 = arith.muli %add3A_744, %mul3A_745 : i32
      %get3A_747 = arith.index_cast %mul3A_746 : i32 to index
      %get3A_748 = tpu.vector_load %arg5[%get3A_747] {strides = array<i32>} : memref<4096xi32, #tpu.memory_space<vmem>>, vector<16xi32>,
      %gather3A_749 = tpu.vector_load_idx %arg9[%get3A_748] : memref<64xi32, #tpu.memory_space<vmem>>[vector<16xi32>], vector<16xi32>,
      %gather3A_750 = tpu.vector_load_idx %arg10[%get3A_748] : memref<64xi32, #tpu.memory_space<vmem>>[vector<16xi32>], vector<16xi32>,
      %eq3A_751 = arith.cmpi eq, %get3A_748, %broadcast_in_dim3A_647 : vector<16xi32>
      %eq3A_752 = arith.cmpi eq, %get3A_748, %broadcast_in_dim3A_650 : vector<16xi32>
      %jit3A_753 = arith.constant 1 : i32
      %jit3A_754 = arith.constant 0 : i32
      %broadcast_in_dim3A_755 = vector.broadcast %jit3A_753 : i32 to vector<16xi32>
      %broadcast_in_dim3A_756 = vector.broadcast %jit3A_754 : i32 to vector<16xi32>
      %select_n3A_757 = arith.select %eq3A_751, %broadcast_in_dim3A_755, %broadcast_in_dim3A_756 : vector<16xi1>, vector<16xi32>
      %jit3A_758 = arith.constant 1 : i32
      %jit3A_759 = arith.constant 0 : i32
      %broadcast_in_dim3A_760 = vector.broadcast %jit3A_758 : i32 to vector<16xi32>
      %broadcast_in_dim3A_761 = vector.broadcast %jit3A_759 : i32 to vector<16xi32>
      %select_n3A_762 = arith.select %eq3A_752, %broadcast_in_dim3A_760, %broadcast_in_dim3A_761 : vector<16xi1>, vector<16xi32>
      %broadcast_in_dim3A_763 = arith.constant true
      %broadcast_in_dim3A_764 = vector.broadcast %broadcast_in_dim3A_763 : i1 to vector<16xi1>
      %masked_cumsum3A_765 = tpu.scan <sum>, %select_n3A_757 masked %broadcast_in_dim3A_764 : vector<16xi32>, vector<16xi1> -> vector<16xi32>
      %sub3A_766 = arith.subi %masked_cumsum3A_765, %select_n3A_757 : vector<16xi32>
      %add3A_767 = vector.broadcast %add3A_735 : i32 to vector<16xi32>
      %add3A_768 = arith.addi %sub3A_766, %add3A_767 : vector<16xi32>
      %broadcast_in_dim3A_769 = arith.constant true
      %broadcast_in_dim3A_770 = vector.broadcast %broadcast_in_dim3A_769 : i1 to vector<16xi1>
      %masked_cumsum3A_771 = tpu.scan <sum>, %select_n3A_762 masked %broadcast_in_dim3A_770 : vector<16xi32>, vector<16xi1> -> vector<16xi32>
      %sub3A_772 = arith.subi %masked_cumsum3A_771, %select_n3A_762 : vector<16xi32>
      %add3A_773 = vector.broadcast %add3A_740 : i32 to vector<16xi32>
      %add3A_774 = arith.addi %sub3A_772, %add3A_773 : vector<16xi32>
      %le3A_775 = arith.constant 64 : i32
      %le3A_776 = vector.broadcast %le3A_775 : i32 to vector<16xi32>
      %le3A_777 = arith.cmpi sle, %gather3A_750, %le3A_776 : vector<16xi32>
      %lt3A_778 = arith.cmpi slt, %add3A_768, %broadcast_in_dim3A_651 : vector<16xi32>
      %and3A_779 = arith.andi %eq3A_751, %lt3A_778 : vector<16xi1>
      %or3A_780 = arith.ori %le3A_777, %and3A_779 : vector<16xi1>
      %ge3A_781 = arith.constant 4032 : i32
      %ge3A_782 = vector.broadcast %ge3A_781 : i32 to vector<16xi32>
      %ge3A_783 = arith.cmpi sge, %gather3A_749, %ge3A_782 : vector<16xi32>
      %ge3A_784 = arith.cmpi sge, %add3A_774, %broadcast_in_dim3A_652 : vector<16xi32>
      %and3A_785 = arith.andi %eq3A_752, %ge3A_784 : vector<16xi1>
      %or3A_786 = arith.ori %ge3A_783, %and3A_785 : vector<16xi1>
      %jit3A_787 = arith.constant 1.000000e+00 : f32
      %jit3A_788 = arith.constant 0.000000e+00 : f32
      %broadcast_in_dim3A_789 = vector.broadcast %jit3A_787 : f32 to vector<16xf32>
      %broadcast_in_dim3A_790 = vector.broadcast %jit3A_788 : f32 to vector<16xf32>
      %select_n3A_791 = arith.select %or3A_780, %broadcast_in_dim3A_789, %broadcast_in_dim3A_790 : vector<16xi1>, vector<16xf32>
      %mul3A_792 = arith.constant 4 : i32
      %mul3A_793 = arith.muli %scan3A_661, %mul3A_792 : i32
      %add3A_794 = arith.constant 1 : i32
      %add3A_795 = arith.addi %mul3A_793, %add3A_794 : i32
      %mul3A_796 = arith.constant 16 : i32
      %mul3A_797 = arith.muli %add3A_795, %mul3A_796 : i32
      %swap3A_798 = arith.index_cast %mul3A_797 : i32 to index
      %swap3A_799 = tpu.vector_load %arg6[%swap3A_798] {strides = array<i32>} : memref<4096xf32, #tpu.memory_space<vmem>>, vector<16xf32>,
      tpu.vector_store %arg6[%swap3A_798], %select_n3A_791 {strides = array<i32>} : memref<4096xf32, #tpu.memory_space<vmem>>, vector<16xf32>,
      %jit3A_800 = arith.constant 1.000000e+00 : f32
      %jit3A_801 = arith.constant 0.000000e+00 : f32
      %broadcast_in_dim3A_802 = vector.broadcast %jit3A_800 : f32 to vector<16xf32>
      %broadcast_in_dim3A_803 = vector.broadcast %jit3A_801 : f32 to vector<16xf32>
      %select_n3A_804 = arith.select %or3A_786, %broadcast_in_dim3A_802, %broadcast_in_dim3A_803 : vector<16xi1>, vector<16xf32>
      %mul3A_805 = arith.constant 4 : i32
      %mul3A_806 = arith.muli %scan3A_661, %mul3A_805 : i32
      %add3A_807 = arith.constant 1 : i32
      %add3A_808 = arith.addi %mul3A_806, %add3A_807 : i32
      %mul3A_809 = arith.constant 16 : i32
      %mul3A_810 = arith.muli %add3A_808, %mul3A_809 : i32
      %swap3A_811 = arith.index_cast %mul3A_810 : i32 to index
      %swap3A_812 = tpu.vector_load %arg7[%swap3A_811] {strides = array<i32>} : memref<4096xf32, #tpu.memory_space<vmem>>, vector<16xf32>,
      tpu.vector_store %arg7[%swap3A_811], %select_n3A_804 {strides = array<i32>} : memref<4096xf32, #tpu.memory_space<vmem>>, vector<16xf32>,
      %reduce_sum3A_813 = arith.constant true
      %reduce_sum3A_814 = vector.broadcast %reduce_sum3A_813 : i1 to vector<16xi1>
      %reduce_sum3A_815 = tpu.scan <sum>, %select_n3A_757 masked %reduce_sum3A_814 : vector<16xi32>, vector<16xi1> -> vector<16xi32>
      %reduce_sum3A_816 = vector.extract %reduce_sum3A_815[15] : i32 from vector<16xi32>
      %add3A_817 = arith.addi %add3A_735, %reduce_sum3A_816 : i32
      %reduce_sum3A_818 = arith.constant true
      %reduce_sum3A_819 = vector.broadcast %reduce_sum3A_818 : i1 to vector<16xi1>
      %reduce_sum3A_820 = tpu.scan <sum>, %select_n3A_762 masked %reduce_sum3A_819 : vector<16xi32>, vector<16xi1> -> vector<16xi32>
      %reduce_sum3A_821 = vector.extract %reduce_sum3A_820[15] : i32 from vector<16xi32>
      %add3A_822 = arith.addi %add3A_740, %reduce_sum3A_821 : i32
      %mul3A_823 = arith.constant 4 : i32
      %mul3A_824 = arith.muli %scan3A_661, %mul3A_823 : i32
      %add3A_825 = arith.constant 2 : i32
      %add3A_826 = arith.addi %mul3A_824, %add3A_825 : i32
      %mul3A_827 = arith.constant 16 : i32
      %mul3A_828 = arith.muli %add3A_826, %mul3A_827 : i32
      %get3A_829 = arith.index_cast %mul3A_828 : i32 to index
      %get3A_830 = tpu.vector_load %arg5[%get3A_829] {strides = array<i32>} : memref<4096xi32, #tpu.memory_space<vmem>>, vector<16xi32>,
      %gather3A_831 = tpu.vector_load_idx %arg9[%get3A_830] : memref<64xi32, #tpu.memory_space<vmem>>[vector<16xi32>], vector<16xi32>,
      %gather3A_832 = tpu.vector_load_idx %arg10[%get3A_830] : memref<64xi32, #tpu.memory_space<vmem>>[vector<16xi32>], vector<16xi32>,
      %eq3A_833 = arith.cmpi eq, %get3A_830, %broadcast_in_dim3A_647 : vector<16xi32>
      %eq3A_834 = arith.cmpi eq, %get3A_830, %broadcast_in_dim3A_650 : vector<16xi32>
      %jit3A_835 = arith.constant 1 : i32
      %jit3A_836 = arith.constant 0 : i32
      %broadcast_in_dim3A_837 = vector.broadcast %jit3A_835 : i32 to vector<16xi32>
      %broadcast_in_dim3A_838 = vector.broadcast %jit3A_836 : i32 to vector<16xi32>
      %select_n3A_839 = arith.select %eq3A_833, %broadcast_in_dim3A_837, %broadcast_in_dim3A_838 : vector<16xi1>, vector<16xi32>
      %jit3A_840 = arith.constant 1 : i32
      %jit3A_841 = arith.constant 0 : i32
      %broadcast_in_dim3A_842 = vector.broadcast %jit3A_840 : i32 to vector<16xi32>
      %broadcast_in_dim3A_843 = vector.broadcast %jit3A_841 : i32 to vector<16xi32>
      %select_n3A_844 = arith.select %eq3A_834, %broadcast_in_dim3A_842, %broadcast_in_dim3A_843 : vector<16xi1>, vector<16xi32>
      %broadcast_in_dim3A_845 = arith.constant true
      %broadcast_in_dim3A_846 = vector.broadcast %broadcast_in_dim3A_845 : i1 to vector<16xi1>
      %masked_cumsum3A_847 = tpu.scan <sum>, %select_n3A_839 masked %broadcast_in_dim3A_846 : vector<16xi32>, vector<16xi1> -> vector<16xi32>
      %sub3A_848 = arith.subi %masked_cumsum3A_847, %select_n3A_839 : vector<16xi32>
      %add3A_849 = vector.broadcast %add3A_817 : i32 to vector<16xi32>
      %add3A_850 = arith.addi %sub3A_848, %add3A_849 : vector<16xi32>
      %broadcast_in_dim3A_851 = arith.constant true
      %broadcast_in_dim3A_852 = vector.broadcast %broadcast_in_dim3A_851 : i1 to vector<16xi1>
      %masked_cumsum3A_853 = tpu.scan <sum>, %select_n3A_844 masked %broadcast_in_dim3A_852 : vector<16xi32>, vector<16xi1> -> vector<16xi32>
      %sub3A_854 = arith.subi %masked_cumsum3A_853, %select_n3A_844 : vector<16xi32>
      %add3A_855 = vector.broadcast %add3A_822 : i32 to vector<16xi32>
      %add3A_856 = arith.addi %sub3A_854, %add3A_855 : vector<16xi32>
      %le3A_857 = arith.constant 64 : i32
      %le3A_858 = vector.broadcast %le3A_857 : i32 to vector<16xi32>
      %le3A_859 = arith.cmpi sle, %gather3A_832, %le3A_858 : vector<16xi32>
      %lt3A_860 = arith.cmpi slt, %add3A_850, %broadcast_in_dim3A_651 : vector<16xi32>
      %and3A_861 = arith.andi %eq3A_833, %lt3A_860 : vector<16xi1>
      %or3A_862 = arith.ori %le3A_859, %and3A_861 : vector<16xi1>
      %ge3A_863 = arith.constant 4032 : i32
      %ge3A_864 = vector.broadcast %ge3A_863 : i32 to vector<16xi32>
      %ge3A_865 = arith.cmpi sge, %gather3A_831, %ge3A_864 : vector<16xi32>
      %ge3A_866 = arith.cmpi sge, %add3A_856, %broadcast_in_dim3A_652 : vector<16xi32>
      %and3A_867 = arith.andi %eq3A_834, %ge3A_866 : vector<16xi1>
      %or3A_868 = arith.ori %ge3A_865, %and3A_867 : vector<16xi1>
      %jit3A_869 = arith.constant 1.000000e+00 : f32
      %jit3A_870 = arith.constant 0.000000e+00 : f32
      %broadcast_in_dim3A_871 = vector.broadcast %jit3A_869 : f32 to vector<16xf32>
      %broadcast_in_dim3A_872 = vector.broadcast %jit3A_870 : f32 to vector<16xf32>
      %select_n3A_873 = arith.select %or3A_862, %broadcast_in_dim3A_871, %broadcast_in_dim3A_872 : vector<16xi1>, vector<16xf32>
      %mul3A_874 = arith.constant 4 : i32
      %mul3A_875 = arith.muli %scan3A_661, %mul3A_874 : i32
      %add3A_876 = arith.constant 2 : i32
      %add3A_877 = arith.addi %mul3A_875, %add3A_876 : i32
      %mul3A_878 = arith.constant 16 : i32
      %mul3A_879 = arith.muli %add3A_877, %mul3A_878 : i32
      %swap3A_880 = arith.index_cast %mul3A_879 : i32 to index
      %swap3A_881 = tpu.vector_load %arg6[%swap3A_880] {strides = array<i32>} : memref<4096xf32, #tpu.memory_space<vmem>>, vector<16xf32>,
      tpu.vector_store %arg6[%swap3A_880], %select_n3A_873 {strides = array<i32>} : memref<4096xf32, #tpu.memory_space<vmem>>, vector<16xf32>,
      %jit3A_882 = arith.constant 1.000000e+00 : f32
      %jit3A_883 = arith.constant 0.000000e+00 : f32
      %broadcast_in_dim3A_884 = vector.broadcast %jit3A_882 : f32 to vector<16xf32>
      %broadcast_in_dim3A_885 = vector.broadcast %jit3A_883 : f32 to vector<16xf32>
      %select_n3A_886 = arith.select %or3A_868, %broadcast_in_dim3A_884, %broadcast_in_dim3A_885 : vector<16xi1>, vector<16xf32>
      %mul3A_887 = arith.constant 4 : i32
      %mul3A_888 = arith.muli %scan3A_661, %mul3A_887 : i32
      %add3A_889 = arith.constant 2 : i32
      %add3A_890 = arith.addi %mul3A_888, %add3A_889 : i32
      %mul3A_891 = arith.constant 16 : i32
      %mul3A_892 = arith.muli %add3A_890, %mul3A_891 : i32
      %swap3A_893 = arith.index_cast %mul3A_892 : i32 to index
      %swap3A_894 = tpu.vector_load %arg7[%swap3A_893] {strides = array<i32>} : memref<4096xf32, #tpu.memory_space<vmem>>, vector<16xf32>,
      tpu.vector_store %arg7[%swap3A_893], %select_n3A_886 {strides = array<i32>} : memref<4096xf32, #tpu.memory_space<vmem>>, vector<16xf32>,
      %reduce_sum3A_895 = arith.constant true
      %reduce_sum3A_896 = vector.broadcast %reduce_sum3A_895 : i1 to vector<16xi1>
      %reduce_sum3A_897 = tpu.scan <sum>, %select_n3A_839 masked %reduce_sum3A_896 : vector<16xi32>, vector<16xi1> -> vector<16xi32>
      %reduce_sum3A_898 = vector.extract %reduce_sum3A_897[15] : i32 from vector<16xi32>
      %add3A_899 = arith.addi %add3A_817, %reduce_sum3A_898 : i32
      %reduce_sum3A_900 = arith.constant true
      %reduce_sum3A_901 = vector.broadcast %reduce_sum3A_900 : i1 to vector<16xi1>
      %reduce_sum3A_902 = tpu.scan <sum>, %select_n3A_844 masked %reduce_sum3A_901 : vector<16xi32>, vector<16xi1> -> vector<16xi32>
      %reduce_sum3A_903 = vector.extract %reduce_sum3A_902[15] : i32 from vector<16xi32>
      %add3A_904 = arith.addi %add3A_822, %reduce_sum3A_903 : i32
      %mul3A_905 = arith.constant 4 : i32
      %mul3A_906 = arith.muli %scan3A_661, %mul3A_905 : i32
      %add3A_907 = arith.constant 3 : i32
      %add3A_908 = arith.addi %mul3A_906, %add3A_907 : i32
      %mul3A_909 = arith.constant 16 : i32
      %mul3A_910 = arith.muli %add3A_908, %mul3A_909 : i32
      %get3A_911 = arith.index_cast %mul3A_910 : i32 to index
      %get3A_912 = tpu.vector_load %arg5[%get3A_911] {strides = array<i32>} : memref<4096xi32, #tpu.memory_space<vmem>>, vector<16xi32>,
      %gather3A_913 = tpu.vector_load_idx %arg9[%get3A_912] : memref<64xi32, #tpu.memory_space<vmem>>[vector<16xi32>], vector<16xi32>,
      %gather3A_914 = tpu.vector_load_idx %arg10[%get3A_912] : memref<64xi32, #tpu.memory_space<vmem>>[vector<16xi32>], vector<16xi32>,
      %eq3A_915 = arith.cmpi eq, %get3A_912, %broadcast_in_dim3A_647 : vector<16xi32>
      %eq3A_916 = arith.cmpi eq, %get3A_912, %broadcast_in_dim3A_650 : vector<16xi32>
      %jit3A_917 = arith.constant 1 : i32
      %jit3A_918 = arith.constant 0 : i32
      %broadcast_in_dim3A_919 = vector.broadcast %jit3A_917 : i32 to vector<16xi32>
      %broadcast_in_dim3A_920 = vector.broadcast %jit3A_918 : i32 to vector<16xi32>
      %select_n3A_921 = arith.select %eq3A_915, %broadcast_in_dim3A_919, %broadcast_in_dim3A_920 : vector<16xi1>, vector<16xi32>
      %jit3A_922 = arith.constant 1 : i32
      %jit3A_923 = arith.constant 0 : i32
      %broadcast_in_dim3A_924 = vector.broadcast %jit3A_922 : i32 to vector<16xi32>
      %broadcast_in_dim3A_925 = vector.broadcast %jit3A_923 : i32 to vector<16xi32>
      %select_n3A_926 = arith.select %eq3A_916, %broadcast_in_dim3A_924, %broadcast_in_dim3A_925 : vector<16xi1>, vector<16xi32>
      %broadcast_in_dim3A_927 = arith.constant true
      %broadcast_in_dim3A_928 = vector.broadcast %broadcast_in_dim3A_927 : i1 to vector<16xi1>
      %masked_cumsum3A_929 = tpu.scan <sum>, %select_n3A_921 masked %broadcast_in_dim3A_928 : vector<16xi32>, vector<16xi1> -> vector<16xi32>
      %sub3A_930 = arith.subi %masked_cumsum3A_929, %select_n3A_921 : vector<16xi32>
      %add3A_931 = vector.broadcast %add3A_899 : i32 to vector<16xi32>
      %add3A_932 = arith.addi %sub3A_930, %add3A_931 : vector<16xi32>
      %broadcast_in_dim3A_933 = arith.constant true
      %broadcast_in_dim3A_934 = vector.broadcast %broadcast_in_dim3A_933 : i1 to vector<16xi1>
      %masked_cumsum3A_935 = tpu.scan <sum>, %select_n3A_926 masked %broadcast_in_dim3A_934 : vector<16xi32>, vector<16xi1> -> vector<16xi32>
      %sub3A_936 = arith.subi %masked_cumsum3A_935, %select_n3A_926 : vector<16xi32>
      %add3A_937 = vector.broadcast %add3A_904 : i32 to vector<16xi32>
      %add3A_938 = arith.addi %sub3A_936, %add3A_937 : vector<16xi32>
      %le3A_939 = arith.constant 64 : i32
      %le3A_940 = vector.broadcast %le3A_939 : i32 to vector<16xi32>
      %le3A_941 = arith.cmpi sle, %gather3A_914, %le3A_940 : vector<16xi32>
      %lt3A_942 = arith.cmpi slt, %add3A_932, %broadcast_in_dim3A_651 : vector<16xi32>
      %and3A_943 = arith.andi %eq3A_915, %lt3A_942 : vector<16xi1>
      %or3A_944 = arith.ori %le3A_941, %and3A_943 : vector<16xi1>
      %ge3A_945 = arith.constant 4032 : i32
      %ge3A_946 = vector.broadcast %ge3A_945 : i32 to vector<16xi32>
      %ge3A_947 = arith.cmpi sge, %gather3A_913, %ge3A_946 : vector<16xi32>
      %ge3A_948 = arith.cmpi sge, %add3A_938, %broadcast_in_dim3A_652 : vector<16xi32>
      %and3A_949 = arith.andi %eq3A_916, %ge3A_948 : vector<16xi1>
      %or3A_950 = arith.ori %ge3A_947, %and3A_949 : vector<16xi1>
      %jit3A_951 = arith.constant 1.000000e+00 : f32
      %jit3A_952 = arith.constant 0.000000e+00 : f32
      %broadcast_in_dim3A_953 = vector.broadcast %jit3A_951 : f32 to vector<16xf32>
      %broadcast_in_dim3A_954 = vector.broadcast %jit3A_952 : f32 to vector<16xf32>
      %select_n3A_955 = arith.select %or3A_944, %broadcast_in_dim3A_953, %broadcast_in_dim3A_954 : vector<16xi1>, vector<16xf32>
      %mul3A_956 = arith.constant 4 : i32
      %mul3A_957 = arith.muli %scan3A_661, %mul3A_956 : i32
      %add3A_958 = arith.constant 3 : i32
      %add3A_959 = arith.addi %mul3A_957, %add3A_958 : i32
      %mul3A_960 = arith.constant 16 : i32
      %mul3A_961 = arith.muli %add3A_959, %mul3A_960 : i32
      %swap3A_962 = arith.index_cast %mul3A_961 : i32 to index
      %swap3A_963 = tpu.vector_load %arg6[%swap3A_962] {strides = array<i32>} : memref<4096xf32, #tpu.memory_space<vmem>>, vector<16xf32>,
      tpu.vector_store %arg6[%swap3A_962], %select_n3A_955 {strides = array<i32>} : memref<4096xf32, #tpu.memory_space<vmem>>, vector<16xf32>,
      %jit3A_964 = arith.constant 1.000000e+00 : f32
      %jit3A_965 = arith.constant 0.000000e+00 : f32
      %broadcast_in_dim3A_966 = vector.broadcast %jit3A_964 : f32 to vector<16xf32>
      %broadcast_in_dim3A_967 = vector.broadcast %jit3A_965 : f32 to vector<16xf32>
      %select_n3A_968 = arith.select %or3A_950, %broadcast_in_dim3A_966, %broadcast_in_dim3A_967 : vector<16xi1>, vector<16xf32>
      %mul3A_969 = arith.constant 4 : i32
      %mul3A_970 = arith.muli %scan3A_661, %mul3A_969 : i32
      %add3A_971 = arith.constant 3 : i32
      %add3A_972 = arith.addi %mul3A_970, %add3A_971 : i32
      %mul3A_973 = arith.constant 16 : i32
      %mul3A_974 = arith.muli %add3A_972, %mul3A_973 : i32
      %swap3A_975 = arith.index_cast %mul3A_974 : i32 to index
      %swap3A_976 = tpu.vector_load %arg7[%swap3A_975] {strides = array<i32>} : memref<4096xf32, #tpu.memory_space<vmem>>, vector<16xf32>,
      tpu.vector_store %arg7[%swap3A_975], %select_n3A_968 {strides = array<i32>} : memref<4096xf32, #tpu.memory_space<vmem>>, vector<16xf32>,
      %reduce_sum3A_977 = arith.constant true
      %reduce_sum3A_978 = vector.broadcast %reduce_sum3A_977 : i1 to vector<16xi1>
      %reduce_sum3A_979 = tpu.scan <sum>, %select_n3A_921 masked %reduce_sum3A_978 : vector<16xi32>, vector<16xi1> -> vector<16xi32>
      %reduce_sum3A_980 = vector.extract %reduce_sum3A_979[15] : i32 from vector<16xi32>
      %add3A_981 = arith.addi %add3A_899, %reduce_sum3A_980 : i32
      %reduce_sum3A_982 = arith.constant true
      %reduce_sum3A_983 = vector.broadcast %reduce_sum3A_982 : i1 to vector<16xi1>
      %reduce_sum3A_984 = tpu.scan <sum>, %select_n3A_926 masked %reduce_sum3A_983 : vector<16xi32>, vector<16xi1> -> vector<16xi32>
      %reduce_sum3A_985 = vector.extract %reduce_sum3A_984[15] : i32 from vector<16xi32>
      %add3A_986 = arith.addi %add3A_904, %reduce_sum3A_985 : i32
      scf.yield %add3A_981, %add3A_986 : i32, i32
    }
    %scan3A_660 = arith.constant 64 : i32
    "tpu.region"() ({
      %run_scoped3A = tpu.sem_alloc : memref<!tpu.dma_semaphore, #tpu.memory_space<semaphore_mem>>
      %dma_start3A = arith.constant 0 : i32
      %dma_start3A_661 = tpu.memref_slice %arg3[%add3A, %dma_start3A] : memref<32x4096xf32, #tpu.memory_space<hbm>> -> memref<1x4096xf32, #tpu.memory_space<hbm>>
      %dma_start3A_662 = tpu.memref_squeeze %dma_start3A_661 : memref<1x4096xf32, #tpu.memory_space<hbm>> -> memref<4096xf32, #tpu.memory_space<hbm>>
      %dma_start3A_663 = arith.constant 0 : i32
      %dma_start3A_664 = tpu.memref_slice %arg3[%add3A, %dma_start3A_663] : memref<32x4096xf32, #tpu.memory_space<hbm>> -> memref<1x4096xf32, #tpu.memory_space<hbm>>
      %dma_start3A_665 = tpu.memref_squeeze %dma_start3A_664 : memref<1x4096xf32, #tpu.memory_space<hbm>> -> memref<4096xf32, #tpu.memory_space<hbm>>
      tpu.enqueue_dma source(%arg6 : memref<4096xf32, #tpu.memory_space<vmem>>) target(%dma_start3A_665 : memref<4096xf32, #tpu.memory_space<hbm>>) target_semaphore(%run_scoped3A : memref<!tpu.dma_semaphore, #tpu.memory_space<semaphore_mem>>)
      %dma_wait3A = arith.constant 0 : i32
      %dma_wait3A_666 = tpu.memref_slice %arg3[%add3A, %dma_wait3A] : memref<32x4096xf32, #tpu.memory_space<hbm>> -> memref<1x4096xf32, #tpu.memory_space<hbm>>
      %dma_wait3A_667 = tpu.memref_squeeze %dma_wait3A_666 : memref<1x4096xf32, #tpu.memory_space<hbm>> -> memref<4096xf32, #tpu.memory_space<hbm>>
      %dma_wait3A_668 = arith.constant 0 : i32
      %dma_wait3A_669 = tpu.memref_slice %arg3[%add3A, %dma_wait3A_668] : memref<32x4096xf32, #tpu.memory_space<hbm>> -> memref<1x4096xf32, #tpu.memory_space<hbm>>
      %dma_wait3A_670 = tpu.memref_squeeze %dma_wait3A_669 : memref<1x4096xf32, #tpu.memory_space<hbm>> -> memref<4096xf32, #tpu.memory_space<hbm>>
      tpu.wait_dma2 semaphore(%run_scoped3A : memref<!tpu.dma_semaphore, #tpu.memory_space<semaphore_mem>>) src(%arg6 : memref<4096xf32, #tpu.memory_space<vmem>>) dst(%dma_wait3A_670 : memref<4096xf32, #tpu.memory_space<hbm>>)
      tpu.yield
    }) : () -> ()
    "tpu.region"() ({
      %run_scoped3A = tpu.sem_alloc : memref<!tpu.dma_semaphore, #tpu.memory_space<semaphore_mem>>
      %dma_start3A = arith.constant 0 : i32
      %dma_start3A_661 = tpu.memref_slice %arg4[%add3A, %dma_start3A] : memref<32x4096xf32, #tpu.memory_space<hbm>> -> memref<1x4096xf32, #tpu.memory_space<hbm>>
      %dma_start3A_662 = tpu.memref_squeeze %dma_start3A_661 : memref<1x4096xf32, #tpu.memory_space<hbm>> -> memref<4096xf32, #tpu.memory_space<hbm>>
      %dma_start3A_663 = arith.constant 0 : i32
      %dma_start3A_664 = tpu.memref_slice %arg4[%add3A, %dma_start3A_663] : memref<32x4096xf32, #tpu.memory_space<hbm>> -> memref<1x4096xf32, #tpu.memory_space<hbm>>
      %dma_start3A_665 = tpu.memref_squeeze %dma_start3A_664 : memref<1x4096xf32, #tpu.memory_space<hbm>> -> memref<4096xf32, #tpu.memory_space<hbm>>
      tpu.enqueue_dma source(%arg7 : memref<4096xf32, #tpu.memory_space<vmem>>) target(%dma_start3A_665 : memref<4096xf32, #tpu.memory_space<hbm>>) target_semaphore(%run_scoped3A : memref<!tpu.dma_semaphore, #tpu.memory_space<semaphore_mem>>)
      %dma_wait3A = arith.constant 0 : i32
      %dma_wait3A_666 = tpu.memref_slice %arg4[%add3A, %dma_wait3A] : memref<32x4096xf32, #tpu.memory_space<hbm>> -> memref<1x4096xf32, #tpu.memory_space<hbm>>
      %dma_wait3A_667 = tpu.memref_squeeze %dma_wait3A_666 : memref<1x4096xf32, #tpu.memory_space<hbm>> -> memref<4096xf32, #tpu.memory_space<hbm>>
      %dma_wait3A_668 = arith.constant 0 : i32
      %dma_wait3A_669 = tpu.memref_slice %arg4[%add3A, %dma_wait3A_668] : memref<32x4096xf32, #tpu.memory_space<hbm>> -> memref<1x4096xf32, #tpu.memory_space<hbm>>
      %dma_wait3A_670 = tpu.memref_squeeze %dma_wait3A_669 : memref<1x4096xf32, #tpu.memory_space<hbm>> -> memref<4096xf32, #tpu.memory_space<hbm>>
      tpu.wait_dma2 semaphore(%run_scoped3A : memref<!tpu.dma_semaphore, #tpu.memory_space<semaphore_mem>>) src(%arg7 : memref<4096xf32, #tpu.memory_space<vmem>>) dst(%dma_wait3A_670 : memref<4096xf32, #tpu.memory_space<hbm>>)
      tpu.yield
    }) : () -> ()
    return
  }
}

module attributes {stable_mosaic.version = 14 : i64} {
  func.func @_hash_body(%arg0: i32, %arg1: i32, %arg2: memref<512x64xf32, #tpu.memory_space<vmem>>, %arg3: memref<1x2048x64xf32, #tpu.memory_space<vmem>>, %arg4: memref<8x2048xi32, #tpu.memory_space<vmem>>) attributes {dimension_semantics = [#tpu.dimension_semantics<arbitrary>, #tpu.dimension_semantics<arbitrary>], iteration_bounds = array<i64: 4, 2>, scalar_prefetch = 0 : i64, scratch_operands = 0 : i64, tpu.core_type = #tpu.core_type<tc>, window_params = [{pipeline_mode = #tpu.pipeline_mode<synchronous>, transform_indices = @transform_0, window_bounds = array<i64: 512, 64>}, {transform_indices = @transform_1, window_bounds = array<i64: 1, 2048, 64>}, {transform_indices = @transform_2, window_bounds = array<i64: 8, 2048>}]} {
    %get3A = arith.constant 0 : index
    %get3A_0 = arith.constant 0 : index
    %get3A_1 = vector.load %arg2[%get3A, %get3A_0] : memref<512x64xf32, #tpu.memory_space<vmem>>, vector<512x64xf32>
    %get3A_2 = arith.constant 0 : index
    %get3A_3 = arith.constant 0 : index
    %get3A_4 = arith.constant 0 : index
    %get3A_5 = vector.load %arg3[%get3A_2, %get3A_3, %get3A_4] : memref<1x2048x64xf32, #tpu.memory_space<vmem>>, vector<1x2048x64xf32>
    %get3A_6 = vector.shape_cast %get3A_5 : vector<1x2048x64xf32> to vector<2048x64xf32>
    %dot_general3A = arith.constant dense<0.000000e+00> : vector<512x2048xf32>
    %dot_general3A_7 = tpu.matmul %get3A_1, %get3A_6, %dot_general3A {dimension_numbers = #tpu.dot_dimension_numbers<[1], [1], [0], [0], [0, 0, 1, 0], [], []>, transpose_lhs_hint = false} : vector<512x64xf32>, vector<2048x64xf32>, vector<512x2048xf32> -> vector<512x2048xf32>
    %reshape3A = vector.shape_cast %dot_general3A_7 : vector<512x2048xf32> to vector<8x64x2048xf32>
    %iota3A = tpu.iota {dimensions = array<i32: 1>} : vector<8x64x2048xi32>
    %reduce_max3A = arith.constant dense<0xFF800000> : vector<8x2048xf32>
    %reduce_max3A_8 = vector.multi_reduction <maximumf>, %reshape3A, %reduce_max3A [1] : vector<8x64x2048xf32> to vector<8x2048xf32>
    %broadcast_in_dim3A = vector.shape_cast %reduce_max3A_8 : vector<8x2048xf32> to vector<8x1x2048xf32>
    %eq3A = vector.broadcast %broadcast_in_dim3A : vector<8x1x2048xf32> to vector<8x64x2048xf32>
    %eq3A_9 = arith.cmpf oeq, %reshape3A, %eq3A : vector<8x64x2048xf32>
    %jit3A = arith.constant 64 : i32
    %broadcast_in_dim3A_10 = vector.broadcast %jit3A : i32 to vector<8x64x2048xi32>
    %select_n3A = arith.select %eq3A_9, %iota3A, %broadcast_in_dim3A_10 : vector<8x64x2048xi1>, vector<8x64x2048xi32>
    %reduce_min3A = arith.constant dense<2147483647> : vector<8x2048xi32>
    %reduce_min3A_11 = vector.multi_reduction <minsi>, %select_n3A, %reduce_min3A [1] : vector<8x64x2048xi32> to vector<8x2048xi32>
    %swap3A = arith.constant 0 : index
    %swap3A_12 = arith.constant 0 : index
    %swap3A_13 = vector.load %arg4[%swap3A, %swap3A_12] : memref<8x2048xi32, #tpu.memory_space<vmem>>, vector<8x2048xi32>
    tpu.vector_store %arg4[%swap3A, %swap3A_12], %reduce_min3A_11 {strides = array<i32>} : memref<8x2048xi32, #tpu.memory_space<vmem>>, vector<8x2048xi32>,
    return
  }
  func.func @transform_0(%arg0: i32, %arg1: i32) -> (i32, i32) {
    %c0_i32 = arith.constant 0 : i32
    %c0_i32_0 = arith.constant 0 : i32
    %c0_i32_1 = arith.constant 0 : i32
    return %c0_i32, %c0_i32_0 : i32, i32
  }
  func.func @transform_1(%arg0: i32, %arg1: i32) -> (i32, i32, i32) {
    %c0_i32 = arith.constant 0 : i32
    %c0_i32_0 = arith.constant 0 : i32
    return %arg0, %arg1, %c0_i32 : i32, i32, i32
  }
  func.func @transform_2(%arg0: i32, %arg1: i32) -> (i32, i32) {
    %c0_i32 = arith.constant 0 : i32
    return %arg0, %arg1 : i32, i32
  }
}

module attributes {stable_mosaic.version = 14 : i64} {
  func.func @_combine_body(%arg0: i32, %arg1: i32, %arg2: memref<1x4096x64xf32, #tpu.memory_space<vmem>>, %arg3: memref<8x4096xf32, #tpu.memory_space<vmem>>, %arg4: memref<8x4096xf32, #tpu.memory_space<vmem>>, %arg5: memref<1x4096x64xf32, #tpu.memory_space<vmem>>) attributes {dimension_semantics = [#tpu.dimension_semantics<arbitrary>, #tpu.dimension_semantics<arbitrary>], iteration_bounds = array<i64: 4, 1>, scalar_prefetch = 0 : i64, scratch_operands = 0 : i64, tpu.core_type = #tpu.core_type<tc>, window_params = [{transform_indices = @transform_0, window_bounds = array<i64: 1, 4096, 64>}, {transform_indices = @transform_1, window_bounds = array<i64: 8, 4096>}, {transform_indices = @transform_2, window_bounds = array<i64: 8, 4096>}, {transform_indices = @transform_3, window_bounds = array<i64: 1, 4096, 64>}]} {
    %get3A = arith.constant 0 : index
    %get3A_0 = arith.constant 0 : index
    %get3A_1 = vector.load %arg3[%get3A, %get3A_0] : memref<8x4096xf32, #tpu.memory_space<vmem>>, vector<8x4096xf32>
    %get3A_2 = arith.constant 0 : index
    %get3A_3 = arith.constant 0 : index
    %get3A_4 = vector.load %arg4[%get3A_2, %get3A_3] : memref<8x4096xf32, #tpu.memory_space<vmem>>, vector<8x4096xf32>
    %slice3A = vector.extract_strided_slice %get3A_4 {offsets = [7, 0], sizes = [1, 4096], strides = [1, 1]} : vector<8x4096xf32> to vector<1x4096xf32>
    %slice3A_5 = vector.extract_strided_slice %get3A_4 {offsets = [0, 0], sizes = [7, 4096], strides = [1, 1]} : vector<8x4096xf32> to vector<7x4096xf32>
    %concatenate3A = tpu.concatenate %slice3A, %slice3A_5 in 0 : vector<1x4096xf32>, vector<7x4096xf32> -> vector<8x4096xf32>
    %mul3A = arith.mulf %get3A_1, %concatenate3A : vector<8x4096xf32>
    %add3A = arith.constant 1.000000e+00 : f32
    %add3A_6 = vector.broadcast %add3A : f32 to vector<8x4096xf32>
    %add3A_7 = arith.addf %add3A_6, %mul3A : vector<8x4096xf32>
    %log3A = math.log %add3A_7 : vector<8x4096xf32>
    %reduce_max3A = arith.constant dense<0xFF800000> : vector<4096xf32>
    %reduce_max3A_8 = vector.multi_reduction <maximumf>, %log3A, %reduce_max3A [0] : vector<8x4096xf32> to vector<4096xf32>
    %broadcast_in_dim3A = vector.shape_cast %reduce_max3A_8 : vector<4096xf32> to vector<1x4096xf32>
    %sub3A = vector.broadcast %broadcast_in_dim3A : vector<1x4096xf32> to vector<8x4096xf32>
    %sub3A_9 = arith.subf %log3A, %sub3A : vector<8x4096xf32>
    %exp3A = math.exp %sub3A_9 : vector<8x4096xf32>
    %reduce_sum3A = arith.constant dense<0.000000e+00> : vector<4096xf32>
    %reduce_sum3A_10 = vector.multi_reduction <add>, %exp3A, %reduce_sum3A [0] : vector<8x4096xf32> to vector<4096xf32>
    %broadcast_in_dim3A_11 = vector.shape_cast %reduce_sum3A_10 : vector<4096xf32> to vector<1x4096xf32>
    %log3A_12 = math.log %broadcast_in_dim3A_11 : vector<1x4096xf32>
    %add3A_13 = arith.addf %broadcast_in_dim3A, %log3A_12 : vector<1x4096xf32>
    %sub3A_14 = vector.broadcast %add3A_13 : vector<1x4096xf32> to vector<8x4096xf32>
    %sub3A_15 = arith.subf %log3A, %sub3A_14 : vector<8x4096xf32>
    %exp3A_16 = math.exp %sub3A_15 : vector<8x4096xf32>
    %broadcast_in_dim3A_17 = arith.constant 1.000000e+00 : f32
    %broadcast_in_dim3A_18 = vector.broadcast %broadcast_in_dim3A_17 : f32 to vector<8x1xf32>
    %dot_general3A = arith.constant dense<0.000000e+00> : vector<4096x1xf32>
    %dot_general3A_19 = tpu.matmul %exp3A_16, %broadcast_in_dim3A_18, %dot_general3A {dimension_numbers = #tpu.dot_dimension_numbers<[0], [0], [1], [1], [0, 1, 1, 1], [], []>, transpose_lhs_hint = false} : vector<8x4096xf32>, vector<8x1xf32>, vector<4096x1xf32> -> vector<4096x1xf32>
    %get3A_20 = arith.constant 0 : index
    %get3A_21 = arith.constant 0 : index
    %get3A_22 = arith.constant 0 : index
    %get3A_23 = vector.load %arg2[%get3A_20, %get3A_21, %get3A_22] : memref<1x4096x64xf32, #tpu.memory_space<vmem>>, vector<1x4096x64xf32>
    %get3A_24 = vector.shape_cast %get3A_23 : vector<1x4096x64xf32> to vector<4096x64xf32>
    %mul3A_25 = vector.broadcast %dot_general3A_19 : vector<4096x1xf32> to vector<4096x64xf32>
    %mul3A_26 = arith.mulf %get3A_24, %mul3A_25 : vector<4096x64xf32>
    %swap3A = arith.constant 0 : index
    %swap3A_27 = arith.constant 0 : index
    %swap3A_28 = arith.constant 0 : index
    %swap3A_29 = vector.load %arg5[%swap3A, %swap3A_27, %swap3A_28] : memref<1x4096x64xf32, #tpu.memory_space<vmem>>, vector<1x4096x64xf32>
    %swap3A_30 = vector.shape_cast %swap3A_29 : vector<1x4096x64xf32> to vector<4096x64xf32>
    %swap3A_31 = vector.shape_cast %mul3A_26 : vector<4096x64xf32> to vector<1x4096x64xf32>
    tpu.vector_store %arg5[%swap3A, %swap3A_27, %swap3A_28], %swap3A_31 {strides = array<i32>} : memref<1x4096x64xf32, #tpu.memory_space<vmem>>, vector<1x4096x64xf32>,
    return
  }
  func.func @transform_0(%arg0: i32, %arg1: i32) -> (i32, i32, i32) {
    %c0_i32 = arith.constant 0 : i32
    %c0_i32_0 = arith.constant 0 : i32
    return %arg0, %arg1, %c0_i32 : i32, i32, i32
  }
  func.func @transform_1(%arg0: i32, %arg1: i32) -> (i32, i32) {
    %c0_i32 = arith.constant 0 : i32
    return %arg0, %arg1 : i32, i32
  }
  func.func @transform_2(%arg0: i32, %arg1: i32) -> (i32, i32) {
    %c0_i32 = arith.constant 0 : i32
    return %arg0, %arg1 : i32, i32
  }
  func.func @transform_3(%arg0: i32, %arg1: i32) -> (i32, i32, i32) {
    %c0_i32 = arith.constant 0 : i32
    %c0_i32_0 = arith.constant 0 : i32
    return %arg0, %arg1, %c0_i32 : i32, i32, i32
  }
}

</mosaic_0001>

<sc_bundles>
// kernel: kernel.5.cloned.1.call-start
scs
__scs_entry_jumppad:
0x0: {  	(pc) =	sbr.rel $0x88, $3  }
0x1: {  	(tag) =	ssettag $0x0;
	lr =	simm.s32 $0x1  }
0x2: {  	[smem:$0x3F9F] =	sst lr;
	_ =	strace $0xD0000000  }
0x3: {  	_ = 	snop  }
0x4: {  	_ = 	snop  }
0x5: {  	_ = 	snop  }
0x6: {  	_ = 	snop  }
0x7: {  	_ = 	snop  }
__scs_overlays_trampoline_lowered:
0x8: {  	[smem:$0x3FAE] =	sst s0  }
0x9: {  	[smem:$0x3FAF] =	sst s1  }
0xa: {  	[smem:$0x3FB0] =	sst s2  }
0xb: {  	[smem:$0x3FB1] =	sst s3  }
0xc: {  	[smem:$0x3FB2] =	sst s4  }
0xd: {  	[smem:$0x3FB3] =	sst s5  }
0xe: {  	[smem:$0x3FB4] =	sst s6  }
0xf: {  	[smem:$0x3FB5] =	sst s7  }
0x10: {  	[smem:$0x3FB6] =	sst s8  }
0x11: {  	[smem:$0x3FB7] =	sst s9;
	s0 =	simm.s32 @!p0 $0x0  }
0x12: {  	s1 =	sld [smem:$0x3F9D];
	s0 =	simm.s32 @p0 $0x1  }
0x13: {  	[smem:$0x3FB8] =	sst s0;
	s0 =	simm.s32 @!p1 $0x0  }
0x14: {  	s2 =	sld [smem:$0x3F9C];
	s0 =	simm.s32 @p1 $0x1  }
0x15: {  	[smem:$0x3FB9] =	sst s0;
	s0 =	simm.s32 @!p2 $0x0  }
0x16: {  	s3 =	sld [smem:$0x3FDB];
	s0 =	simm.s32 @p2 $0x1  }
0x17: {  	s4 =	simm.s32 $0x1BF5;
	[smem:$0x3FBB] =	sst s0  }
0x18: {  	s0 =	sld [smem:$0x3F9E];
	_ =	swait.ge [sflag:s4], $0x0  }
0x19: {  	s7 =	sld [smem:$0x3F9F]  }
0x1a: {  	s8 =	sadd.s32 $0xFFFFE003, lr  }
0x1b: {  	s9 =	sadd.s32 $0xFFFFFEF7, lr;
	s5 =	simm.s32 $0xFFFFFFFF;
	p2 =	slt.u32 s8, $0xFFFFF086  }
0x1c: {  	p1 =	slt.u32 s9, $0xF7A;
	s5 =	simm.s32 @!p2 $0x0  }
0x1d: {  	s5 =	simm.s32 @p1 $0x1;
	p0 =	seq.s32 s7, s2  }
0x1e: {  	s7 =	smul.u32 @!p0 $0xF7A, s2;
	p2 =	seq.s32 @!p0 s5, $0x0  }
0x1f: {  	s9 =	smul.u32 $0xF7A, s1;
	s8 =	simm.s32 @!p0 $0x1BF5;
	p2 =	por !p2, p0  }
0x20: {  	[sflag:s8] =	ssyncset.s32 @!p0 $0xFFFFF086;
	s6 =	sadd.s32 @!p0 s3, s7;
	s7 =	simm.s32 @!p0 $0x108  }
0x21: {  	s3 =	sadd.s32 s3, s9;
	s6 =	sadd.s32 @!p0 $0x88, s6;
	s7 =	simm.s32 @p2 $0x1082  }
0x22: {  	[simem:s7], [sflag:s8] =	dma.local @!p0 [hbm:s6], $0xF7A  }
0x23: {  	s9 =	sor.u32 $0xD0000000, s2;
	s6 =	simm.s32 $0x108;
	_ =	swait.ge @!p0 [sflag:s8], $0x0  }
0x24: {  	s3 =	sadd.s32 $0x88, s3;
	s6 =	simm.s32 @!p1 $0x1082;
	[sflag:s4] =	ssyncset.s32 $0xFFFFF086  }
0x25: {  	[simem:s6], [sflag:s4] =	dma.local [hbm:s3], $0xF7A  }
0x26: {  	[smem:$0x3F9F] =	sst s1;
	(tag) =	ssettag s2;
	_ =	strace s9  }
0x27: {  	s1 =	sld [smem:$0x3FAF]  }
0x28: {  	s2 =	sld [smem:$0x3FB0]  }
0x29: {  	s4 =	sld [smem:$0x3FB2]  }
0x2a: {  	p0 =	seq.s32 s5, $0x0;
	s5 =	sld [smem:$0x3FB3]  }
0x2b: {  	s6 =	sld [smem:$0x3FB4]  }
0x2c: {  	s7 =	sld [smem:$0x3FB5]  }
0x2d: {  	s3 =	simm.s32 $0x108;
	s8 =	sld [smem:$0x3FB6]  }
0x2e: {  	s3 =	simm.s32 @!p0 $0x1082;
	s9 =	sld [smem:$0x3FB7]  }
0x2f: {  	lr =	sadd.s32 s0, s3;
	s0 =	sld [smem:$0x3FAE]  }
0x30: {  	s3 =	sld [smem:$0x3FB1]  }
0x31: {  	[smem:$0x3FBA] =	sst s10  }
0x32: {  	s10 =	sld [smem:$0x3FB8];
	_ =	sdelay $0x3  }
0x33: {  	p0 =	seq.s32 s10, $0x1;
	s10 =	sld [smem:$0x3FBA];
	_ =	sdelay $0x3  }
0x34: {  	[smem:$0x3FBA] =	sst s10  }
0x35: {  	s10 =	sld [smem:$0x3FB9];
	_ =	sdelay $0x3  }
0x36: {  	p1 =	seq.s32 s10, $0x1;
	s10 =	sld [smem:$0x3FBA];
	_ =	sdelay $0x3  }
0x37: {  	[smem:$0x3FBA] =	sst s10  }
0x38: {  	s10 =	sld [smem:$0x3FBB]  }
0x39: {  	_ = 	snop;
	(pc) =	sbr.ind lr, $3  }
0x3a: {  	_ = 	snop  }
0x3b: {  	_ = 	snop  }
0x3c: {  	p2 =	seq.s32 s10, $0x1;
	s10 =	sld [smem:$0x3FBA]  }
0x3d: {  	_ =	shalt  }
0x3e: {  	_ =	shalt  }
0x3f: {  	_ =	shalt  }
0x40: {  	_ =	shalt  }
0x41: {  	_ =	shalt  }
0x42: {  	_ =	shalt  }
0x43: {  	_ =	shalt  }
0x44: {  	_ =	shalt  }
0x45: {  	_ =	shalt  }
0x46: {  	_ =	shalt  }
0x47: {  	_ =	shalt  }
0x48: {  	_ =	shalt  }
0x49: {  	_ =	shalt  }
0x4a: {  	_ =	shalt  }
0x4b: {  	_ =	shalt  }
0x4c: {  	_ =	shalt  }
0x4d: {  	_ =	shalt  }
0x4e: {  	_ =	shalt  }
0x4f: {  	_ =	shalt  }
0x50: {  	_ =	shalt  }
0x51: {  	_ =	shalt  }
0x52: {  	_ =	shalt  }
0x53: {  	_ =	shalt  }
0x54: {  	_ =	shalt  }
0x55: {  	_ =	shalt  }
0x56: {  	_ =	shalt  }
0x57: {  	_ =	shalt  }
0x58: {  	_ =	shalt  }
0x59: {  	_ =	shalt  }
0x5a: {  	_ =	shalt  }
0x5b: {  	_ =	shalt  }
0x5c: {  	_ =	shalt  }
0x5d: {  	_ =	shalt  }
0x5e: {  	_ =	shalt  }
0x5f: {  	_ =	shalt  }
0x60: {  	_ =	shalt  }
0x61: {  	_ =	shalt  }
0x62: {  	_ =	shalt  }
0x63: {  	_ =	shalt  }
0x64: {  	_ =	shalt  }
0x65: {  	_ =	shalt  }
0x66: {  	_ =	shalt  }
0x67: {  	_ =	shalt  }
0x68: {  	_ =	shalt  }
0x69: {  	_ =	shalt  }
0x6a: {  	_ =	shalt  }
0x6b: {  	_ =	shalt  }
0x6c: {  	_ =	shalt  }
0x6d: {  	_ =	shalt  }
0x6e: {  	_ =	shalt  }
0x6f: {  	_ =	shalt  }
0x70: {  	_ =	shalt  }
0x71: {  	_ =	shalt  }
0x72: {  	_ =	shalt  }
0x73: {  	_ =	shalt  }
0x74: {  	_ =	shalt  }
0x75: {  	_ =	shalt  }
0x76: {  	_ =	shalt  }
0x77: {  	_ =	shalt  }
0x78: {  	_ =	shalt  }
0x79: {  	_ =	shalt  }
0x7a: {  	_ =	shalt  }
0x7b: {  	_ =	shalt  }
0x7c: {  	_ =	shalt  }
0x7d: {  	_ =	shalt  }
0x7e: {  	_ =	shalt  }
0x7f: {  	_ =	shalt  }
0x80: {  	_ =	shalt  }
0x81: {  	_ =	shalt  }
0x82: {  	_ =	shalt  }
0x83: {  	_ =	shalt  }
0x84: {  	_ =	shalt  }
0x85: {  	_ =	shalt  }
0x86: {  	_ =	shalt  }
0x87: {  	_ =	shalt  }
.Lfunc_end0:
.L_simem_size_0:
called_computation_lowered:
.L_overlay_start_0:
0x88: {  	s2 =	sld [smem:$0x3FD9]  }
0x89: {  	s3 =	sld [smem:$0x3FFE];
	_ =	sdelay $0x1  }
0x8a: {  	s1 =	srdreg.scid  }
0x8b: {  	s0 =	sand.u32 $0x1, s1  }
0x8c: {  	s17 =	sshll.u32 s0, $0xA;
	s2 =	sadd.s32 s3, s2  }
0x8d: {  	s2 =	sadd.s32 s2, s17  }
0x8e: {  	[smem:$0x3FC6] =	sst s2  }
0x8f: {  	_ = 	snop  }
0x90: {  	s2 =	sld [smem:$0x3FD0];
	(tm) =	ssettm $0x1  }
0x91: {  	s18 =	sld [smem:$0x3FFB];
	_ =	sdelay $0x3  }
0x92: {  	_ =	strace s18  }
0x93: {  	s3 =	sld [smem:$0x3FFC];
	_ =	sdelay $0x3  }
0x94: {  	_ =	strace s3  }
0x95: {  	s3 =	sld [smem:$0x3FFD];
	_ =	sdelay $0x3  }
0x96: {  	_ =	strace s3  }
0x97: {  	_ =	strace $0x8FFFFFFF  }
0x98: {  	s19 =	sld [smem:$0x3FDB];
	_ =	sdelay $0x1  }
0x99: {  	s4 =	simm.s32 $_scs_section_size  }
0x9a: {  	s5 =	simm.s32 $_size__tile_overlayer_lowered;
	s6 =	simm.s32 $_tile_overlayer_lowered  }
0x9b: {  	s22 =	simm.s32 $0x1BFF;
	s21 =	sshll.u32 s6, $0x1;
	s3 =	sadd.s32 s4, s19  }
0x9c: {  	s7 =	simm.s32 $0x0;
	s20 =	sshll.u32 s5, $0x1;
	s5 =	sadd.s32 s21, s3  }
0x9d: {  	[timem:s7], [sflag:s22] =	dma.local [hbm:s5], s20  }
0x9e: {  	_ =	swait.ge [sflag:s22], s20  }
0x9f: {  	s4 =	ssub.s32 $0x0, s20;
	[sflag:s22] =	ssyncset.done $0x0  }
0xa0: {  	[sflag:s22] =	ssyncadd.s32 s4;
	_ =	sdelay $0x1  }
0xa1: {  	s23 =	simm.s32 $0x1B8B  }
0xa2: {  	_ =	swait.ge [sflag:s23], $0x1  }
0xa3: {  	[sflag:s23] =	ssyncset.done $0x0  }
0xa4: {  	s25 =	simm.s32 $0x1B8E;
	s24 =	sld [smem:$0x3FFE];
	[sflag:s23] =	ssyncadd.s32 $0xFFFFFFFF  }
0xa5: {  	s26 =	simm.s32 $execute0_lowered;
	[smem:$0x3FD2] =	sst s25  }
0xa6: {  	s5 =	sshll.u32 s26, $0x1;
	_ =	strace $0x80000046;
	[dreg:$0x1] =	wrdreg $0xFFFFFFFF  }
0xa7: {  	s28 =	simm.s32 $_size_execute0_lowered;
	s3 =	sadd.s32 s3, s5;
	[dreg:$0x0] =	wrdreg $0x0  }
0xa8: {  	s5 =	sshll.u32 s28, $0x1;
	[dreg:$0x2] =	wrdreg s3  }
0xa9: {  	[dreg:$0x3] =	wrdreg s5  }
0xaa: {  	[dreg:$0x4] =	wrdreg $0xC0  }
0xab: {  	_ =	task [dreg:s7], $0x5FFFF  }
0xac: {  	[dreg:$0x1] =	wrdreg $0xFFFFFFFF  }
0xad: {  	[dreg:$0x0] =	wrdreg $0x60  }
0xae: {  	[dreg:$0x2] =	wrdreg s2  }
0xaf: {  	[dreg:$0x3] =	wrdreg s24  }
0xb0: {  	[dreg:$0x4] =	wrdreg $0x9  }
0xb1: {  	_ =	task.clear_ibuf [dreg:s7], $0x5FFFF;
	_ =	strace $0x90000046  }
0xb2: {  	s29 =	simm.s32 $0x9;
	_ =	strace $0x80000048  }
0xb3: {  	_ =	swait.ge [sflag:s29], $0x1  }
0xb4: {  	[sflag:s29] =	ssyncadd.s32 $0xFFFFFFFF  }
0xb5: {  	_ =	strace $0x90000048  }
0xb6: {  	_ =	sfence  }
0xb7: {  	s30 =	sld [smem:$0x0];
	_ =	sdelay $0x2  }
0xb8: {  	s31 =	sshll.u32 s1, $0xD;
	s1 =	sshrl.u32 s1, $0x2  }
0xb9: {  	s3 =	sand.u32 $0x4000, s31;
	s1 =	sadd.s32 s1, s30  }
0xba: {  	s0 =	sor.u32 s3, s0;
	s1 =	sshll.u32 s1, $0x11  }
0xbb: {  	s0 =	sor.u32 s1, s0  }
0xbc: {  	s0 =	sadd.s32 $0x8F2B, s0  }
0xbd: {  	[sflag:s0] =	ssyncadd.remote.s32 $0x1  }
0xbe: {  	_ =	sfence.sel $0xFFFF  }
0xbf: {  	[dreg:$0x0] =	wrdreg $0xFFFFFFFF;
	(pc) =	sbr.abs _section_cstart, $3  }
0xc0: {  	[dreg:$0x1] =	wrdreg $0xFFFFFFFF  }
0xc1: {  	_ =	task.clear_ibuf [dreg:s7], $0x2FFFF;
	_ =	strace $0x9FFFFFFF  }
0xc2: {  	(tm) =	ssettm $0x7FFFFFFF  }
0xc3: {  	_ =	shalt  }
tec
execute0_lowered:
.L_overlay_start_1:
0x0: {  	(tag) =	ssettag $0x1  }
0x1: {  	s3 =	rddreg [dreg:$0x0]  }
0x2: {  	s4 =	rddreg [dreg:$0x1]  }
0x3: {  	s0 =	rddreg [dreg:$0x2]  }
0x4: {  	s2 =	simm.s32 $0x0;
	s5 =	srdreg.scid;
	s1 =	stileid.u32  }
0x5: {  	s9 =	simm.s32 $0x1;
	s10 =	simm.s32 $0x3000;
	s11 =	simm.s32 $0x3400  }
0x6: {  	s12 =	simm.s32 $0x3480;
	s13 =	simm.s32 $0x1000;
	s14 =	simm.s32 $0x2000  }
0x7: {  	s15 =	simm.s32 $0x0;
	[smem:$0x7FF] =	sst s2;
	s5 =	sand.u32 $0x1, s5  }
0x8: {  	s6 =	sshll.u32 s1, $0x5;
	s7 =	sshll.u32 s1, $0xA;
	s8 =	sshll.u32 s5, $0x4  }
0x9: {  	s6 =	sand.u32 $0x60, s6;
	s7 =	sand.u32 $0x3000, s7;
	s5 =	ssub.s32 $0x2, s5  }
0xa: {  	v0 =	vimm.s32 $0x0;
	v8 =	vlaneseq.u32;
	_ =	strace $0x80000047;
	s6 =	sor.u32 s8, s6;
	s30 =	sshrl.u32 s5, $0x1  }
0xb: {  	v2 =	vimm.s32 $0x1;
	v3 =	vimm.s32 $0x40;
	v5 =	vimm.s32 $0xFC0;
	s8 =	simm.s32 $0x400;
	s6 =	sor.u32 s7, s6;
	s7 =	ssub.s32 s5, s30  }
0xc: {  	v9 =	vimm.f32 $0.0e+00;
	v1 =	vmul.u32 $0x40, v8;
	v4 =	vadd.s32 $0x1, v8;
	s31 =	sadd.s32 s6, s4;
	s3 =	sadd.s32 s3, s6;
	s6 =	smax.u32 s7, $0x1  }
0xd: {  	v6 =	vadd.s32 $0x11, v8;
	v7 =	vadd.s32 $0x21, v8;
	v8 =	vadd.s32 $0x31, v8;
	s7 =	simm.s32 $0x80;
	s4 =	sadd.s32 $0x1600, s31;
	s5 =	sadd.s32 $0x5600, s31  }
.LBB2_1:
0xe: {  	[tilespmem:s2], [sflag:$0x1] =	stream.strided.gather [hbm4b:s3+s7], $0x1000, s8, s7, $0x38;
	[tilespmem:$0x3500] =	vst v63  }
0xf: {  	_ =	swait.ge [sflag:s9], $0x1000  }
0x10: {  	[sflag:s9] =	ssyncset.done $0x0  }
0x11: {  	[sflag:s9] =	ssyncadd.s32 $0xFFFFF000  }
0x12: {  	[tilespmem:$0x3000] =	vst v0  }
0x13: {  	[tilespmem:$0x3010] =	vst v0  }
0x14: {  	[tilespmem:$0x3020] =	vst v0  }
0x15: {  	[tilespmem:$0x3030] =	vst v0  }
0x16: {  	[tilespmem:$0x3040] =	vst v0  }
0x17: {  	[tilespmem:$0x3050] =	vst v0  }
0x18: {  	[tilespmem:$0x3060] =	vst v0  }
0x19: {  	[tilespmem:$0x3070] =	vst v0  }
0x1a: {  	[tilespmem:$0x3080] =	vst v0  }
0x1b: {  	[tilespmem:$0x3090] =	vst v0  }
0x1c: {  	[tilespmem:$0x30A0] =	vst v0  }
0x1d: {  	[tilespmem:$0x30B0] =	vst v0  }
0x1e: {  	[tilespmem:$0x30C0] =	vst v0  }
0x1f: {  	[tilespmem:$0x30D0] =	vst v0  }
0x20: {  	[tilespmem:$0x30E0] =	vst v0  }
0x21: {  	[tilespmem:$0x30F0] =	vst v0  }
0x22: {  	[tilespmem:$0x3100] =	vst v0  }
0x23: {  	[tilespmem:$0x3110] =	vst v0  }
0x24: {  	[tilespmem:$0x3120] =	vst v0  }
0x25: {  	[tilespmem:$0x3130] =	vst v0  }
0x26: {  	[tilespmem:$0x3140] =	vst v0  }
0x27: {  	[tilespmem:$0x3150] =	vst v0  }
0x28: {  	[tilespmem:$0x3160] =	vst v0  }
0x29: {  	[tilespmem:$0x3170] =	vst v0  }
0x2a: {  	[tilespmem:$0x3180] =	vst v0  }
0x2b: {  	[tilespmem:$0x3190] =	vst v0  }
0x2c: {  	[tilespmem:$0x31A0] =	vst v0  }
0x2d: {  	[tilespmem:$0x31B0] =	vst v0  }
0x2e: {  	[tilespmem:$0x31C0] =	vst v0  }
0x2f: {  	[tilespmem:$0x31D0] =	vst v0  }
0x30: {  	[tilespmem:$0x31E0] =	vst v0  }
0x31: {  	[tilespmem:$0x31F0] =	vst v0  }
0x32: {  	[tilespmem:$0x3200] =	vst v0  }
0x33: {  	[tilespmem:$0x3210] =	vst v0  }
0x34: {  	[tilespmem:$0x3220] =	vst v0  }
0x35: {  	[tilespmem:$0x3230] =	vst v0  }
0x36: {  	[tilespmem:$0x3240] =	vst v0  }
0x37: {  	[tilespmem:$0x3250] =	vst v0  }
0x38: {  	[tilespmem:$0x3260] =	vst v0  }
0x39: {  	[tilespmem:$0x3270] =	vst v0  }
0x3a: {  	[tilespmem:$0x3280] =	vst v0  }
0x3b: {  	[tilespmem:$0x3290] =	vst v0  }
0x3c: {  	[tilespmem:$0x32A0] =	vst v0  }
0x3d: {  	[tilespmem:$0x32B0] =	vst v0  }
0x3e: {  	[tilespmem:$0x32C0] =	vst v0  }
0x3f: {  	[tilespmem:$0x32D0] =	vst v0  }
0x40: {  	[tilespmem:$0x32E0] =	vst v0  }
0x41: {  	[tilespmem:$0x32F0] =	vst v0  }
0x42: {  	[tilespmem:$0x3300] =	vst v0  }
0x43: {  	[tilespmem:$0x3310] =	vst v0  }
0x44: {  	[tilespmem:$0x3320] =	vst v0  }
0x45: {  	[tilespmem:$0x3330] =	vst v0  }
0x46: {  	[tilespmem:$0x3340] =	vst v0  }
0x47: {  	[tilespmem:$0x3350] =	vst v0  }
0x48: {  	[tilespmem:$0x3360] =	vst v0  }
0x49: {  	[tilespmem:$0x3370] =	vst v0  }
0x4a: {  	[tilespmem:$0x3380] =	vst v0  }
0x4b: {  	[tilespmem:$0x3390] =	vst v0  }
0x4c: {  	[tilespmem:$0x33A0] =	vst v0  }
0x4d: {  	[tilespmem:$0x33B0] =	vst v0  }
0x4e: {  	[tilespmem:$0x33C0] =	vst v0  }
0x4f: {  	[tilespmem:$0x33D0] =	vst v0  }
0x50: {  	[tilespmem:$0x33E0] =	vst v0  }
0x51: {  	s16 =	simm.s32 $0x0;
	[tilespmem:$0x33F0] =	vst v0  }
.LBB2_2:
0x52: {  	s17 =	sshra.s32 s16, $0x2  }
0x53: {  	v10 =	vld [tilespmem:s17+$0x0];
	_ =	sdelay $0x4  }
0x54: {  	v10 =	vadd.s32 v1, v10;
	_ =	sdelay $0x4  }
0x55: {  	[tilespmem:v10+s10+$0x0] =	vst.idx.add.s32.msk $0xffff, v2  }
0x56: {  	v10 =	vld [tilespmem:s17+$0x10];
	_ =	sdelay $0x4  }
0x57: {  	v10 =	vadd.s32 v1, v10;
	_ =	sdelay $0x4  }
0x58: {  	[tilespmem:v10+s10+$0x0] =	vst.idx.add.s32.msk $0xffff, v2  }
0x59: {  	v10 =	vld [tilespmem:s17+$0x20];
	_ =	sdelay $0x4  }
0x5a: {  	v10 =	vadd.s32 v1, v10;
	_ =	sdelay $0x4  }
0x5b: {  	[tilespmem:v10+s10+$0x0] =	vst.idx.add.s32.msk $0xffff, v2  }
0x5c: {  	v10 =	vld [tilespmem:s17+$0x30];
	_ =	sdelay $0x4  }
0x5d: {  	p0 =	sne.s32 s16, $0x3F00;
	v10 =	vadd.s32 v1, v10  }
.Ltmp0:
0x5e: {  	_ = 	snop;
	(pc) =	sbr.rel @p0 .LBB2_2-.Ltmp0, $2  }
0x5f: {  	_ =	sdelay $0x2  }
0x60: {  	s16 =	sadd.s32 $0x100, s16;
	[tilespmem:v10+s10+$0x0] =	vst.idx.add.s32.msk $0xffff, v2  }
0x61: {  	v10 =	vld [tilespmem:$0x3000]  }
0x62: {  	v11 =	vld [tilespmem:$0x3040]  }
0x63: {  	v12 =	vld [tilespmem:$0x3080]  }
0x64: {  	v13 =	vld [tilespmem:$0x30C0]  }
0x65: {  	v14 =	vld [tilespmem:$0x3100]  }
0x66: {  	v15 =	vld [tilespmem:$0x3140]  }
0x67: {  	v10 =	vadd.s32 v10, v11;
	v11 =	vld [tilespmem:$0x3180]  }
0x68: {  	v10 =	vadd.s32 v12, v10;
	v12 =	vld [tilespmem:$0x31C0]  }
0x69: {  	v10 =	vadd.s32 v13, v10;
	v13 =	vld [tilespmem:$0x3200]  }
0x6a: {  	v10 =	vadd.s32 v14, v10;
	v14 =	vld [tilespmem:$0x3240]  }
0x6b: {  	v10 =	vadd.s32 v15, v10;
	v15 =	vld [tilespmem:$0x3280]  }
0x6c: {  	v10 =	vadd.s32 v11, v10;
	v11 =	vld [tilespmem:$0x32C0]  }
0x6d: {  	v10 =	vadd.s32 v12, v10;
	v12 =	vld [tilespmem:$0x3300]  }
0x6e: {  	v10 =	vadd.s32 v13, v10;
	v13 =	vld [tilespmem:$0x3340]  }
0x6f: {  	v10 =	vadd.s32 v14, v10;
	v14 =	vld [tilespmem:$0x3380]  }
0x70: {  	v10 =	vadd.s32 v15, v10;
	v15 =	vld [tilespmem:$0x33C0]  }
0x71: {  	v10 =	vadd.s32 v11, v10;
	v11 =	vld [tilespmem:$0x3010]  }
0x72: {  	v10 =	vadd.s32 v12, v10;
	v12 =	vld [tilespmem:$0x3050]  }
0x73: {  	v10 =	vadd.s32 v13, v10;
	v13 =	vld [tilespmem:$0x3090]  }
0x74: {  	v10 =	vadd.s32 v14, v10;
	v14 =	vld [tilespmem:$0x30D0]  }
0x75: {  	v15 =	vadd.s32 v15, v10;
	v10 =	vld [tilespmem:$0x3110]  }
0x76: {  	v16 =	vld [tilespmem:$0x3150]  }
0x77: {  	(xrf0) =	vadd.scan.msk.s32 $0xffff, v15;
	v11 =	vadd.s32 v11, v12;
	v12 =	vld [tilespmem:$0x3190]  }
0x78: {  	v11 =	vadd.s32 v13, v11;
	v13 =	vld [tilespmem:$0x31D0]  }
0x79: {  	v11 =	vadd.s32 v14, v11;
	v14 =	vld [tilespmem:$0x3210]  }
0x7a: {  	v17 =	vld [tilespmem:$0x3250];
	v10 =	vadd.s32 v10, v11  }
0x7b: {  	v11 =	vadd.s32 v16, v10;
	v16 =	vld [tilespmem:$0x3290]  }
0x7c: {  	v18 =	vld [tilespmem:$0x32D0];
	v12 =	vadd.s32 v12, v11  }
0x7d: {  	v10, _, _ =	vpop (xrf0);
	v12 =	vadd.s32 v13, v12;
	v13 =	vld [tilespmem:$0x3310]  }
0x7e: {  	v11 =	vsub.s32 v10, v15;
	vm1 =	vgt.s32 v10, $0x40;
	v12 =	vadd.s32 v14, v12;
	v14 =	vld [tilespmem:$0x3350]  }
0x7f: {  	v15 =	vld [tilespmem:$0x3390];
	vm2 =	vgt.s32 v10, $0xFC0;
	vm0 =	vgt.s32 v3, v11;
	v12 =	vadd.s32 v17, v12  }
0x80: {  	v19 =	vsub.s32 $0x40, v11;
	vm0 =	vmand vm1, vm0;
	v12 =	vadd.s32 v16, v12  }
0x81: {  	v16 =	vld [tilespmem:$0x33D0];
	vm1 =	vgt.s32 v5, v11;
	v17 =	vnsel vm0, $0x0, v4;
	v12 =	vadd.s32 v18, v12  }
0x82: {  	(xrf0) =	vadd.scan.msk.s32 $0xffff, v17;
	v17 =	vnsel vm0, $0x0, v19;
	vm0 =	vmand vm2, vm1;
	v12 =	vadd.s32 v13, v12  }
0x83: {  	(xrf0) =	vadd.scan.msk.s32 $0xffff, v17;
	v13 =	vnsel vm0, $0x0, v4;
	v17 =	vsub.s32 $0xFC0, v11;
	v12 =	vadd.s32 v14, v12;
	v14 =	vld [tilespmem:$0x3020]  }
0x84: {  	(xrf0) =	vadd.scan.msk.s32 $0xffff, v13;
	v13 =	vnsel vm0, $0x0, v17;
	v12 =	vadd.s32 v15, v12;
	v15 =	vld [tilespmem:$0x3060]  }
0x85: {  	(xrf0) =	vadd.scan.msk.s32 $0xffff, v13;
	v13 =	vld [tilespmem:$0x30A0]  }
0x86: {  	v12 =	vadd.s32 v16, v12;
	v16 =	vld [tilespmem:$0x30E0]  }
0x87: {  	v17 =	vld [tilespmem:$0x3120];
	(xrf0) =	vadd.scan.msk.s32 $0xffff, v12  }
0x88: {  	v19 =	vld [tilespmem:$0x3160]  }
0x89: {  	v18, _, _ =	vpop (xrf0);
	v14 =	vadd.s32 v14, v15;
	v15 =	vld [tilespmem:$0x31A0]  }
0x8a: {  	(v2sf) =	vpush v10, $0xF;
	v20, _, _ =	vpop (xrf0);
	v13 =	vadd.s32 v13, v14;
	v14 =	vld [tilespmem:$0x31E0]  }
0x8b: {  	(v2sf) =	vpush v18, $0xF;
	v21, _, _ =	vpop (xrf0);
	v13 =	vadd.s32 v16, v13;
	v16 =	vld [tilespmem:$0x3220]  }
0x8c: {  	(v2sf) =	vpush v20, $0xF;
	v18, _, _ =	vpop (xrf0);
	v13 =	vadd.s32 v17, v13;
	v17 =	vld [tilespmem:$0x3260]  }
0x8d: {  	v22 =	vbroadcast v10, $0xF;
	(v2sf) =	vpush v21, $0xF;
	v20, _, _ =	vpop (xrf0);
	v13 =	vadd.s32 v19, v13;
	v19 =	vld [tilespmem:$0x32A0]  }
0x8e: {  	(v2sf) =	vpush v18, $0xF;
	v18 =	vld [tilespmem:$0x32E0];
	v12 =	vsub.s32 v20, v12;
	v15 =	vadd.s32 v15, v13  }
0x8f: {  	(v2sf) =	vpush v20, $0xF;
	v12 =	vadd.s32 v22, v12;
	v14 =	vadd.s32 v14, v15;
	v15 =	vld [tilespmem:$0x3320]  }
0x90: {  	v13 =	vadd.s32 v22, v20;
	vm0 =	vgt.s32 v3, v12;
	v14 =	vadd.s32 v16, v14;
	v16 =	vld [tilespmem:$0x3360]  }
0x91: {  	vm1 =	vgt.s32 v13, $0x40;
	v21 =	vsub.s32 $0x40, v12;
	v14 =	vadd.s32 v17, v14;
	v17 =	vld [tilespmem:$0x33A0]  }
0x92: {  	vm2 =	vgt.s32 v13, $0xFC0;
	vm0 =	vmand vm1, vm0;
	v14 =	vadd.s32 v19, v14  }
0x93: {  	vm1 =	vgt.s32 v5, v12;
	v20 =	vnsel vm0, $0x0, v6;
	v19 =	vld [tilespmem:$0x33E0];
	v14 =	vadd.s32 v18, v14  }
0x94: {  	(xrf0) =	vadd.scan.msk.s32 $0xffff, v20;
	v18 =	vnsel vm0, $0x0, v21;
	vm0 =	vmand vm2, vm1;
	v14 =	vadd.s32 v15, v14  }
0x95: {  	(xrf0) =	vadd.scan.msk.s32 $0xffff, v18;
	v15 =	vnsel vm0, $0x0, v6;
	v18 =	vsub.s32 $0xFC0, v12;
	v14 =	vadd.s32 v16, v14;
	v16 =	vld [tilespmem:$0x3030]  }
0x96: {  	(xrf0) =	vadd.scan.msk.s32 $0xffff, v15;
	v15 =	vnsel vm0, $0x0, v18;
	v14 =	vadd.s32 v17, v14;
	v17 =	vld [tilespmem:$0x3070]  }
0x97: {  	(xrf0) =	vadd.scan.msk.s32 $0xffff, v15;
	v15 =	vld [tilespmem:$0x30B0]  }
0x98: {  	v18 =	vld [tilespmem:$0x30F0];
	v14 =	vadd.s32 v19, v14  }
0x99: {  	v19 =	vld [tilespmem:$0x3130];
	(xrf0) =	vadd.scan.msk.s32 $0xffff, v14  }
0x9a: {  	s16 =	spop (v2sf);
	v21 =	vld [tilespmem:$0x3170]  }
0x9b: {  	s19 =	spop (v2sf);
	v20, _, _ =	vpop (xrf0);
	v16 =	vadd.s32 v16, v17;
	v17 =	vld [tilespmem:$0x31B0]  }
0x9c: {  	s17 =	spop (v2sf);
	v22, _, _ =	vpop (xrf0);
	v15 =	vadd.s32 v15, v16;
	v16 =	vld [tilespmem:$0x31F0]  }
0x9d: {  	(v2sf) =	vpush v20, $0xF;
	s20 =	spop (v2sf);
	v23, _, _ =	vpop (xrf0);
	v15 =	vadd.s32 v18, v15;
	v18 =	vld [tilespmem:$0x3230]  }
0x9e: {  	s18 =	spop (v2sf);
	(v2sf) =	vpush v22, $0xF;
	v20, _, _ =	vpop (xrf0);
	v15 =	vadd.s32 v19, v15;
	v19 =	vld [tilespmem:$0x3270]  }
0x9f: {  	s21 =	spop (v2sf);
	(v2sf) =	vpush v23, $0xF;
	v22, _, _ =	vpop (xrf0);
	v15 =	vadd.s32 v21, v15;
	v21 =	vld [tilespmem:$0x32B0]  }
0xa0: {  	s16 =	sadd.s32 s16, s21;
	(v2sf) =	vpush v20, $0xF;
	v14 =	vsub.s32 v22, v14;
	v15 =	vadd.s32 v17, v15;
	v17 =	vld [tilespmem:$0x32F0]  }
0xa1: {  	v20 =	vadd.s32 s16, v22;
	(v2sf) =	vpush v22, $0xF;
	v15 =	vadd.s32 v16, v15;
	v16 =	vld [tilespmem:$0x3330]  }
0xa2: {  	v14 =	vadd.s32 s16, v14;
	vm1 =	vgt.s32 v20, $0x40;
	v15 =	vadd.s32 v18, v15;
	v18 =	vld [tilespmem:$0x3370]  }
0xa3: {  	vm2 =	vgt.s32 v20, $0xFC0;
	vm0 =	vgt.s32 v3, v14;
	v15 =	vadd.s32 v19, v15;
	v19 =	vld [tilespmem:$0x33B0]  }
0xa4: {  	v23 =	vsub.s32 $0x40, v14;
	vm0 =	vmand vm1, vm0;
	v15 =	vadd.s32 v21, v15;
	v21 =	vld [tilespmem:$0x33F0]  }
0xa5: {  	vm1 =	vgt.s32 v5, v14;
	v22 =	vnsel vm0, $0x0, v7;
	v15 =	vadd.s32 v17, v15  }
0xa6: {  	(xrf0) =	vadd.scan.msk.s32 $0xffff, v22;
	v17 =	vnsel vm0, $0x0, v23;
	vm0 =	vmand vm2, vm1;
	v15 =	vadd.s32 v16, v15  }
0xa7: {  	(xrf0) =	vadd.scan.msk.s32 $0xffff, v17;
	v16 =	vnsel vm0, $0x0, v7;
	v17 =	vsub.s32 $0xFC0, v14;
	v15 =	vadd.s32 v18, v15  }
0xa8: {  	(xrf0) =	vadd.scan.msk.s32 $0xffff, v16;
	v16 =	vnsel vm0, $0x0, v17;
	v15 =	vadd.s32 v19, v15  }
0xa9: {  	(xrf0) =	vadd.scan.msk.s32 $0xffff, v16;
	v15 =	vadd.s32 v21, v15  }
0xaa: {  	(xrf0) =	vadd.scan.msk.s32 $0xffff, v15;
	_ =	sdelay $0x1  }
0xab: {  	s25 =	spop (v2sf);
	v16, _, _ =	vpop (xrf0)  }
0xac: {  	s21 =	spop (v2sf);
	v17, _, _ =	vpop (xrf0)  }
0xad: {  	s26 =	spop (v2sf);
	v18, _, _ =	vpop (xrf0)  }
0xae: {  	s22 =	spop (v2sf);
	v19, _, _ =	vpop (xrf0)  }
0xaf: {  	s23 =	spop (v2sf);
	v21, _, _ =	vpop (xrf0)  }
0xb0: {  	s16 =	sadd.s32 s16, s23;
	v15 =	vsub.s32 v21, v15  }
0xb1: {  	v21 =	vadd.s32 s16, v21;
	v15 =	vadd.s32 s16, v15  }
0xb2: {  	vm1 =	vgt.s32 v21, $0x40;
	vm0 =	vgt.s32 v3, v15  }
0xb3: {  	vm2 =	vgt.s32 v21, $0xFC0;
	vm0 =	vmand vm1, vm0  }
0xb4: {  	v23 =	vsub.s32 $0x40, v15;
	vm1 =	vgt.s32 v5, v15;
	v22 =	vnsel vm0, $0x0, v8  }
0xb5: {  	(xrf0) =	vadd.scan.msk.s32 $0xffff, v22;
	v22 =	vnsel vm0, $0x0, v23;
	vm0 =	vmand vm2, vm1  }
0xb6: {  	(xrf0) =	vadd.scan.msk.s32 $0xffff, v22;
	v22 =	vnsel vm0, $0x0, v8  }
0xb7: {  	(xrf0) =	vadd.scan.msk.s32 $0xffff, v22  }
0xb8: {  	(v2sf) =	vpush v16, $0xF  }
0xb9: {  	(v2sf) =	vpush v17, $0xF  }
0xba: {  	(v2sf) =	vpush v18, $0xF  }
0xbb: {  	(v2sf) =	vpush v19, $0xF;
	v16, _, _ =	vpop (xrf0)  }
0xbc: {  	(v2sf) =	vpush v16, $0xF;
	v16, _, _ =	vpop (xrf0)  }
0xbd: {  	(v2sf) =	vpush v16, $0xF;
	v16, _, _ =	vpop (xrf0)  }
0xbe: {  	(v2sf) =	vpush v16, $0xF;
	_ =	sdelay $0x5  }
0xbf: {  	[tilespmem:$0x3480] =	vst v10  }
0xc0: {  	[tilespmem:$0x3400] =	vst v11  }
0xc1: {  	[tilespmem:$0x3410] =	vst v12  }
0xc2: {  	[tilespmem:$0x3490] =	vst v13;
	s28 =	spop (v2sf)  }
0xc3: {  	[tilespmem:$0x34A0] =	vst v20;
	s24 =	spop (v2sf)  }
0xc4: {  	[tilespmem:$0x3420] =	vst v14;
	s29 =	spop (v2sf)  }
0xc5: {  	[tilespmem:$0x34B0] =	vst v21;
	s23 =	spop (v2sf)  }
0xc6: {  	s16 =	simm.s32 $0x0;
	[tilespmem:$0x3430] =	vst v15;
	s30 =	spop (v2sf)  }
0xc7: {  	s20 =	sadd.s32 s26, s20;
	v18 =	vld [tilespmem:s16+$0x10];
	s26 =	spop (v2sf)  }
0xc8: {  	v17 =	vld [tilespmem:s16+$0x0];
	s20 =	sadd.s32 s29, s20;
	s31 =	spop (v2sf)  }
0xc9: {  	s19 =	sadd.s32 s25, s19;
	s20 =	sadd.s32 s31, s20  }
0xca: {  	v10 =	vsub.s32 $0xFC0, v15;
	s19 =	sadd.s32 s28, s19;
	s20 =	sadd.s32 $0xFFFFFFFF, s20  }
0xcb: {  	v10 =	vnsel vm0, $0x0, v10;
	s19 =	sadd.s32 s30, s19;
	v11 =	vmov s20  }
0xcc: {  	(xrf0) =	vadd.scan.msk.s32 $0xffff, v10;
	s19 =	sadd.s32 $0xFFFFFFFF, s19;
	vm1 =	veq.s32 v18, v11  }
0xcd: {  	v13 =	vmov s19;
	vm6 =	veq.s32 v17, v11;
	v10 =	vsel vm1, $0x1, v0  }
0xce: {  	vm7 =	veq.s32 v17, v13;
	v12 =	vsel vm6, $0x1, v0;
	(xrf0) =	vadd.scan.msk.s32 $0xffff, v10  }
0xcf: {  	v16 =	vld [tilespmem:s16+$0x20];
	v10 =	vsel vm7, $0x1, v0;
	(xrf0) =	vadd.scan.msk.s32 $0xffff, v12;
	_ =	sdelay $0x1  }
0xd0: {  	(xrf0) =	vadd.scan.msk.s32 $0xffff, v10  }
0xd1: {  	vm4 =	veq.s32 v18, v13;
	v10, _, _ =	vpop (xrf0)  }
0xd2: {  	(v2sf) =	vpush v10, $0xF;
	v10 =	vsel vm4, $0x1, v0  }
0xd3: {  	vm2 =	veq.s32 v16, v13;
	v15, _, _ =	vpop (xrf0);
	(xrf0) =	vadd.scan.msk.s32 $0xffff, v10  }
0xd4: {  	v14 =	vld [tilespmem:s16+$0x30];
	v10 =	vsel vm2, $0x1, v0;
	v12, _, _ =	vpop (xrf0);
	(v2sf) =	vpush v15, $0xF  }
0xd5: {  	(xrf0) =	vadd.scan.msk.s32 $0xffff, v10;
	(v2sf) =	vpush v12, $0xF  }
0xd6: {  	v19, _, _ =	vpop (xrf0)  }
0xd7: {  	(v2sf) =	vpush v19, $0xF;
	_ =	sdelay $0x1  }
0xd8: {  	vm3 =	veq.s32 v14, v13;
	v20, _, _ =	vpop (xrf0)  }
0xd9: {  	vm5 =	veq.s32 v16, v11;
	v10 =	vsel vm3, $0x1, v0;
	(v2sf) =	vpush v20, $0xF  }
0xda: {  	v26 =	vld.idx.msk [tilespmem:v17+s11+$0x0], $0xffff;
	vm0 =	veq.s32 v14, v11;
	(xrf0) =	vadd.scan.msk.s32 $0xffff, v10;
	v10 =	vsel vm5, $0x1, v0;
	v21, _, _ =	vpop (xrf0)  }
0xdb: {  	v17 =	vld.idx.msk [tilespmem:v17+s12+$0x0], $0xffff;
	v22 =	vsel vm0, $0x1, v0;
	(xrf0) =	vadd.scan.msk.s32 $0xffff, v10;
	(v2sf) =	vpush v21, $0xF  }
0xdc: {  	(xrf0) =	vadd.scan.msk.s32 $0xffff, v22;
	_ =	sdelay $0x2  }
0xdd: {  	s17 =	sadd.s32 s17, s21;
	s30 =	simm.s32 $0x0;
	v62 =	vsel vm3, $0xFFFFFFFF, v0;
	v23 =	vsel vm6, $0xFFFFFFFF, v0  }
0xde: {  	s18 =	sadd.s32 s18, s22;
	s17 =	sadd.s32 s24, s17;
	v23 =	vadd.s32 s30, v23;
	vm10 =	vlt.s32 v17, $0x41;
	v22 =	vsel vm7, $0xFFFFFFFF, v0;
	v24, _, _ =	vpop (xrf0)  }
0xdf: {  	s18 =	sadd.s32 s23, s18;
	s17 =	sadd.s32 s26, s17;
	v23 =	vadd.s32 v12, v23;
	v22 =	vadd.s32 s30, v22;
	v25, _, _ =	vpop (xrf0);
	s31 =	spop (v2sf);
	(v2sf) =	vpush v24, $0xF  }
0xe0: {  	v10 =	vmov s17;
	v22 =	vadd.s32 v19, v22;
	v19, _, _ =	vpop (xrf0);
	s20 =	sadd.s32 s31, s18;
	s21 =	spop (v2sf);
	(v2sf) =	vpush v25, $0xF  }
0xe1: {  	vm8 =	vlt.s32 v22, v10;
	v12 =	vmov s20;
	s22 =	spop (v2sf);
	(v2sf) =	vpush v19, $0xF  }
0xe2: {  	v22 =	vsel vm1, $0xFFFFFFFF, v0;
	vm7 =	vmand vm7, vm8;
	vm9 =	vge.s32 v23, v12  }
0xe3: {  	vm8 =	vgt.s32 v26, $0xFBF;
	vm7 =	vmor vm10, vm7;
	vm6 =	vmand vm6, vm9;
	s23 =	sadd.s32 $0x0, s22;
	s24 =	spop (v2sf)  }
0xe4: {  	v23 =	vsel vm4, $0xFFFFFFFF, v0;
	vm6 =	vmor vm8, vm6;
	s25 =	sadd.s32 $0x0, s24;
	v22 =	vadd.s32 s23, v22  }
0xe5: {  	s17 =	simm.s32 $0x40;
	v15 =	vadd.s32 v15, v22;
	v22 =	vsel vm2, $0xFFFFFFFF, v0;
	v23 =	vadd.s32 s25, v23  }
0xe6: {  	s18 =	sadd.s32 s23, s21;
	v20 =	vadd.s32 v20, v23;
	v23 =	vsel vm5, $0xFFFFFFFF, v0;
	vm9 =	vge.s32 v15, v12;
	v15 =	vld [tilespmem:s17+$0x10];
	s26 =	spop (v2sf)  }
0xe7: {  	v17 =	vld [tilespmem:s17+$0x0];
	vm8 =	vlt.s32 v20, v10;
	v20 =	vsel vm6, $0x3F800000, v9;
	v23 =	vadd.s32 s18, v23;
	s19 =	sadd.s32 s25, s26  }
0xe8: {  	s28 =	spop (v2sf);
	[tilespmem:s16+$0x2000] =	vst v20;
	v20 =	vsel vm7, $0x3F800000, v9;
	vm7 =	vmand vm1, vm9;
	v22 =	vadd.s32 s19, v22  }
0xe9: {  	vm9 =	vmand vm4, vm8;
	s20 =	sadd.s32 s19, s28;
	[tilespmem:s16+$0x1000] =	vst v20;
	v20 =	vadd.s32 v21, v22;
	v21 =	vadd.s32 v25, v23  }
0xea: {  	v22 =	vadd.s32 s20, v62;
	v23 =	vld.idx.msk [tilespmem:v18+s11+$0x0], $0xffff;
	vm1 =	vlt.s32 v20, v10;
	vm6 =	vge.s32 v21, v12  }
0xeb: {  	v20 =	vadd.s32 v24, v22;
	v21 =	vld.idx.msk [tilespmem:v18+s12+$0x0], $0xffff;
	vm4 =	vmand vm2, vm1;
	vm2 =	veq.s32 v15, v11  }
0xec: {  	vm5 =	vmand vm5, vm6;
	vm6 =	veq.s32 v17, v11;
	v18 =	vsel vm2, $0x1, v0  }
0xed: {  	vm8 =	veq.s32 v17, v13;
	vm1 =	vlt.s32 v20, v10;
	v20 =	vsel vm6, $0x1, v0;
	(xrf0) =	vadd.scan.msk.s32 $0xffff, v18;
	v18 =	vld [tilespmem:s17+$0x30]  }
0xee: {  	v63 =	vsel vm8, $0x1, v0;
	s29 =	spop (v2sf);
	(xrf0) =	vadd.scan.msk.s32 $0xffff, v20;
	v20 =	vld [tilespmem:s17+$0x20]  }
0xef: {  	v22 =	vsel vm0, $0xFFFFFFFF, v0;
	vm3 =	vmand vm3, vm1;
	vm1 =	veq.s32 v15, v13;
	s30 =	spop (v2sf)  }
0xf0: {  	vm10 =	vgt.s32 v23, $0xFBF;
	v23 =	vsel vm1, $0x1, v0;
	vm11 =	vlt.s32 v21, $0x41;
	s22 =	sadd.s32 s18, s30;
	s31 =	spop (v2sf)  }
0xf1: {  	s19 =	simm.s32 $0x200;
	v21 =	vsel vm8, $0xFFFFFFFF, v0;
	(xrf0) =	vadd.scan.msk.s32 $0xffff, v63;
	vm10 =	vmor vm10, vm7;
	s18 =	sadd.s32 s20, s29;
	vm9 =	vmor vm11, vm9;
	s20 =	sadd.s32 s22, s31  }
.LBB2_4:
0xf2: {  	p0 =	sne.s32 s19, $0x3F00;
	v24 =	vsel vm6, $0xFFFFFFFF, v0;
	vm7 =	veq.s32 v18, v13;
	(xrf0) =	vadd.scan.msk.s32 $0xffff, v23;
	v23 =	vsel vm9, $0x3F800000, v9;
	s21 =	smov.u32 s19;
	s19 =	sadd.s32 $0x100, s19  }
0xf3: {  	v27 =	vsel vm10, $0x3F800000, v9;
	vm9 =	veq.s32 v20, v13;
	v25 =	vsel vm7, $0x1, v0;
	[tilespmem:s16+$0x1010] =	vst v23  }
0xf4: {  	v22 =	vadd.s32 s22, v22;
	v26 =	vsel vm9, $0x1, v0;
	[tilespmem:s16+$0x2010] =	vst v27  }
0xf5: {  	v19 =	vadd.s32 v19, v22;
	v23, _, _ =	vpop (xrf0);
	(xrf0) =	vadd.scan.msk.s32 $0xffff, v26;
	v26 =	vld.idx.msk [tilespmem:v16+s11+$0x0], $0xffff  }
0xf6: {  	v22 =	vadd.s32 s20, v24;
	vm10 =	vge.s32 v19, v12;
	v24, _, _ =	vpop (xrf0);
	(v2sf) =	vpush v23, $0xF;
	(xrf0) =	vadd.scan.msk.s32 $0xffff, v25;
	v25 =	vld.idx.msk [tilespmem:v16+s12+$0x0], $0xffff  }
0xf7: {  	v27 =	vadd.s32 s18, v21;
	v19 =	vadd.s32 v24, v22;
	v21, _, _ =	vpop (xrf0);
	(v2sf) =	vpush v24, $0xF  }
0xf8: {  	vm10 =	vmand vm0, vm10;
	v22 =	vadd.s32 v21, v27;
	(v2sf) =	vpush v21, $0xF;
	v21, _, _ =	vpop (xrf0)  }
0xf9: {  	v16 =	vmov v20;
	vm11 =	vge.s32 v19, v12;
	vm0 =	vlt.s32 v22, v10  }
0xfa: {  	vm6 =	vmand vm6, vm11;
	vm8 =	vmand vm8, vm0  }
0xfb: {  	vm0 =	vgt.s32 v26, $0xFBF;
	(v2sf) =	vpush v21, $0xF;
	v20, _, _ =	vpop (xrf0)  }
0xfc: {  	vm11 =	vlt.s32 v25, $0x41;
	vm0 =	vmor vm0, vm5;
	(v2sf) =	vpush v20, $0xF;
	v22, _, _ =	vpop (xrf0)  }
0xfd: {  	vm4 =	vmor vm11, vm4;
	v19 =	vsel vm0, $0x3F800000, v9;
	(v2sf) =	vpush v22, $0xF  }
0xfe: {  	v24 =	vsel vm4, $0x3F800000, v9;
	[tilespmem:s16+$0x2020] =	vst v19  }
0xff: {  	[tilespmem:s16+$0x1020] =	vst v24  }
0x100: {  	v19 =	vld.idx.msk [tilespmem:v14+s12+$0x0], $0xffff  }
0x101: {  	v24 =	vld.idx.msk [tilespmem:v14+s11+$0x0], $0xffff;
	v14 =	vmov v18  }
0x102: {  	vm5 =	veq.s32 v16, v11  }
0x103: {  	v18 =	vsel vm5, $0x1, v0;
	vm0 =	veq.s32 v14, v11  }
0x104: {  	v25 =	vsel vm0, $0x1, v0;
	(xrf0) =	vadd.scan.msk.s32 $0xffff, v18  }
0x105: {  	v26 =	vsel vm7, $0xFFFFFFFF, v0;
	v18 =	vsel vm9, $0xFFFFFFFF, v0;
	s22 =	spop (v2sf);
	(xrf0) =	vadd.scan.msk.s32 $0xffff, v25  }
0x106: {  	v27 =	vsel vm2, $0xFFFFFFFF, v0;
	v25 =	vsel vm1, $0xFFFFFFFF, v0;
	vm4 =	vlt.s32 v19, $0x41;
	s23 =	spop (v2sf)  }
0x107: {  	v19 =	vsel vm5, $0xFFFFFFFF, v0;
	vm3 =	vmor vm4, vm3;
	vm4 =	vgt.s32 v24, $0xFBF;
	s20 =	sadd.s32 s20, s23;
	s23 =	spop (v2sf)  }
0x108: {  	vm4 =	vmor vm4, vm10;
	s18 =	sadd.s32 s18, s23;
	v24 =	vadd.s32 s20, v27;
	s20 =	sadd.s32 s20, s22;
	v27 =	vsel vm3, $0x3F800000, v9  }
0x109: {  	v28 =	vadd.s32 s18, v25;
	v23 =	vadd.s32 v23, v24;
	[tilespmem:s16+$0x1030] =	vst v27;
	v24 =	vsel vm4, $0x3F800000, v9  }
0x10a: {  	v21 =	vadd.s32 v21, v28;
	vm3 =	vge.s32 v23, v12;
	v23 =	vadd.s32 s20, v19;
	s22 =	spop (v2sf);
	v25, _, _ =	vpop (xrf0);
	[tilespmem:s16+$0x2030] =	vst v24;
	s16 =	smov.u32 s17  }
0x10b: {  	v24 =	vld.idx.msk [tilespmem:v17+s11+$0x0], $0xffff;
	vm4 =	vlt.s32 v21, v10;
	vm10 =	vmand vm2, vm3;
	s17 =	sadd.s32 s18, s22;
	s18 =	spop (v2sf);
	(v2sf) =	vpush v25, $0xF;
	v19, _, _ =	vpop (xrf0)  }
0x10c: {  	v17 =	vld.idx.msk [tilespmem:v17+s12+$0x0], $0xffff;
	vm11 =	vmand vm1, vm4;
	v18 =	vadd.s32 s17, v18;
	s17 =	sadd.s32 s17, s18;
	s18 =	spop (v2sf);
	(v2sf) =	vpush v19, $0xF  }
0x10d: {  	v18 =	vadd.s32 v20, v18;
	v20 =	vadd.s32 v25, v23;
	v21 =	vadd.s32 s17, v26;
	s18 =	sadd.s32 s17, s18  }
0x10e: {  	vm1 =	vlt.s32 v18, v10;
	vm2 =	vge.s32 v20, v12;
	v18 =	vadd.s32 v22, v21  }
0x10f: {  	vm4 =	vmand vm9, vm1;
	vm5 =	vmand vm5, vm2;
	vm1 =	vlt.s32 v18, v10  }
0x110: {  	vm3 =	vmand vm7, vm1  }
0x111: {  	vm1 =	vgt.s32 v24, $0xFBF  }
0x112: {  	s17 =	sshra.s32 s21, $0x2;
	vm2 =	vlt.s32 v17, $0x41;
	vm1 =	vmor vm1, vm6  }
0x113: {  	vm2 =	vmor vm2, vm8;
	v20 =	vsel vm1, $0x3F800000, v9;
	v18 =	vld [tilespmem:s17+$0x10]  }
0x114: {  	v21 =	vsel vm2, $0x3F800000, v9;
	v17 =	vld [tilespmem:s17+$0x0];
	[tilespmem:s16+$0x2000] =	vst v20  }
0x115: {  	[tilespmem:s16+$0x1000] =	vst v21  }
0x116: {  	v21 =	vld.idx.msk [tilespmem:v15+s11+$0x0], $0xffff  }
0x117: {  	v24 =	vld.idx.msk [tilespmem:v15+s12+$0x0], $0xffff  }
0x118: {  	v15 =	vmov v18;
	_ =	sdelay $0x1  }
.Ltmp1:
0x119: {  	vm1 =	veq.s32 v15, v13;
	vm2 =	veq.s32 v15, v11;
	v18 =	vld [tilespmem:s17+$0x30];
	s21 =	spop (v2sf);
	(pc) =	sbr.rel @p0 .LBB2_4-.Ltmp1, $4  }
0x11a: {  	v22 =	vsel vm0, $0xFFFFFFFF, v0;
	vm6 =	veq.s32 v17, v11;
	v23 =	vsel vm2, $0x1, v0;
	v20 =	vld [tilespmem:s17+$0x20];
	s22 =	sadd.s32 s20, s21;
	s20 =	spop (v2sf)  }
0x11b: {  	vm8 =	veq.s32 v17, v13;
	v25 =	vsel vm6, $0x1, v0;
	vm7 =	vgt.s32 v21, $0xFBF;
	(xrf0) =	vadd.scan.msk.s32 $0xffff, v23;
	s20 =	sadd.s32 s22, s20  }
0x11c: {  	v26 =	vsel vm8, $0x1, v0;
	v23 =	vsel vm1, $0x1, v0;
	vm9 =	vlt.s32 v24, $0x41;
	(xrf0) =	vadd.scan.msk.s32 $0xffff, v25  }
0x11d: {  	v21 =	vsel vm8, $0xFFFFFFFF, v0;
	vm10 =	vmor vm7, vm10;
	vm9 =	vmor vm9, vm11;
	(xrf0) =	vadd.scan.msk.s32 $0xffff, v26  }
0x11e: {  	_ = 	snop  }
0x11f: {  	v24 =	vsel vm9, $0x3F800000, v9  }
0x120: {  	v28 =	vsel vm10, $0x3F800000, v9;
	[tilespmem:s16+$0x1010] =	vst v24  }
0x121: {  	[tilespmem:s16+$0x2010] =	vst v28  }
0x122: {  	v24 =	vld.idx.msk [tilespmem:v16+s11+$0x0], $0xffff  }
0x123: {  	v29 =	vld.idx.msk [tilespmem:v16+s12+$0x0], $0xffff;
	_ =	sdelay $0x3  }
0x124: {  	vm7 =	vgt.s32 v24, $0xFBF  }
0x125: {  	vm15 =	vlt.s32 v29, $0x41;
	vm5 =	vmor vm7, vm5  }
0x126: {  	vm4 =	vmor vm15, vm4;
	v30 =	vsel vm5, $0x3F800000, v9  }
0x127: {  	v31 =	vsel vm4, $0x3F800000, v9;
	[tilespmem:s16+$0x2020] =	vst v30  }
0x128: {  	[tilespmem:s16+$0x1020] =	vst v31  }
0x129: {  	v16 =	vld.idx.msk [tilespmem:v14+s12+$0x0], $0xffff  }
0x12a: {  	v33, _, _ =	vpop (xrf0);
	v32 =	vld.idx.msk [tilespmem:v14+s11+$0x0], $0xffff  }
0x12b: {  	v25, _, _ =	vpop (xrf0);
	(v2sf) =	vpush v33, $0xF  }
0x12c: {  	v22 =	vadd.s32 s22, v22;
	v34, _, _ =	vpop (xrf0);
	(v2sf) =	vpush v25, $0xF  }
0x12d: {  	v19 =	vadd.s32 v19, v22;
	(v2sf) =	vpush v34, $0xF  }
0x12e: {  	vm10 =	vge.s32 v19, v12;
	vm11 =	vlt.s32 v16, $0x41  }
0x12f: {  	vm0 =	vmand vm0, vm10;
	vm12 =	vgt.s32 v32, $0xFBF;
	vm3 =	vmor vm11, vm3  }
0x130: {  	(xrf0) =	vadd.scan.msk.s32 $0xffff, v23;
	vm0 =	vmor vm12, vm0;
	v35 =	vsel vm3, $0x3F800000, v9  }
0x131: {  	v36 =	vsel vm0, $0x3F800000, v9;
	[tilespmem:s16+$0x1030] =	vst v35  }
0x132: {  	[tilespmem:s16+$0x2030] =	vst v36  }
0x133: {  	v40 =	vadd.s32 s18, v21;
	v14 =	vld.idx.msk [tilespmem:v17+s11+$0x0], $0xffff  }
0x134: {  	v37 =	vsel vm6, $0xFFFFFFFF, v0;
	v16 =	vadd.s32 v34, v40;
	v38 =	vld.idx.msk [tilespmem:v17+s12+$0x0], $0xffff  }
0x135: {  	v39 =	vadd.s32 s20, v37;
	vm13 =	vlt.s32 v16, v10  }
0x136: {  	v43, _, _ =	vpop (xrf0);
	vm0 =	veq.s32 v18, v13;
	vm3 =	veq.s32 v20, v13;
	v13 =	vadd.s32 v25, v39  }
0x137: {  	(v2sf) =	vpush v43, $0xF;
	vm4 =	vmand vm8, vm13;
	vm14 =	vge.s32 v13, v12  }
0x138: {  	v41 =	vsel vm3, $0x1, v0;
	vm5 =	vmand vm6, vm14;
	vm15 =	vgt.s32 v14, $0xFBF  }
0x139: {  	v42 =	vsel vm0, $0x1, v0;
	(xrf0) =	vadd.scan.msk.s32 $0xffff, v41;
	vm9 =	vlt.s32 v38, $0x41;
	vm6 =	vmor vm15, vm5  }
0x13a: {  	s24 =	spop (v2sf);
	(xrf0) =	vadd.scan.msk.s32 $0xffff, v42;
	vm5 =	veq.s32 v20, v11;
	vm4 =	vmor vm9, vm4;
	v44 =	vsel vm6, $0x3F800000, v9  }
0x13b: {  	s19 =	spop (v2sf);
	v45 =	vsel vm5, $0x1, v0;
	v46 =	vsel vm4, $0x3F800000, v9;
	[tilespmem:s17+$0x2000] =	vst v44  }
0x13c: {  	s21 =	spop (v2sf);
	(xrf0) =	vadd.scan.msk.s32 $0xffff, v45;
	[tilespmem:s17+$0x1000] =	vst v46  }
0x13d: {  	v50 =	vsel vm1, $0xFFFFFFFF, v0;
	v51 =	vsel vm2, $0xFFFFFFFF, v0;
	s19 =	sadd.s32 s20, s19;
	s25 =	sadd.s32 s18, s21;
	v48 =	vld.idx.msk [tilespmem:v15+s12+$0x0], $0xffff  }
0x13e: {  	v21 =	vadd.s32 s19, v51;
	v19 =	vadd.s32 s25, v50;
	v52 =	vld.idx.msk [tilespmem:v15+s11+$0x0], $0xffff  }
0x13f: {  	v13 =	vadd.s32 v43, v19;
	v47, _, _ =	vpop (xrf0);
	vm4 =	veq.s32 v18, v11;
	v11 =	vadd.s32 v33, v21  }
0x140: {  	vm11 =	vlt.s32 v13, v10;
	(v2sf) =	vpush v47, $0xF;
	v49, _, _ =	vpop (xrf0)  }
0x141: {  	vm13 =	vmand vm1, vm11;
	(v2sf) =	vpush v49, $0xF;
	vm10 =	vge.s32 v11, v12  }
0x142: {  	v53 =	vsel vm4, $0x1, v0;
	vm12 =	vmand vm2, vm10;
	v11, _, _ =	vpop (xrf0);
	vm14 =	vlt.s32 v48, $0x41  }
0x143: {  	vm15 =	vgt.s32 v52, $0xFBF;
	(v2sf) =	vpush v11, $0xF;
	vm1 =	vmor vm14, vm13  }
0x144: {  	(xrf0) =	vadd.scan.msk.s32 $0xffff, v53;
	vm2 =	vmor vm15, vm12;
	v54 =	vsel vm1, $0x3F800000, v9  }
0x145: {  	v55 =	vsel vm2, $0x3F800000, v9;
	[tilespmem:s17+$0x1010] =	vst v54  }
0x146: {  	[tilespmem:s17+$0x2010] =	vst v55  }
0x147: {  	v13 =	vld.idx.msk [tilespmem:v20+s11+$0x0], $0xffff  }
0x148: {  	s16 =	sadd.s32 s19, s24;
	s26 =	spop (v2sf);
	v56 =	vsel vm5, $0xFFFFFFFF, v0;
	v57 =	vld.idx.msk [tilespmem:v20+s12+$0x0], $0xffff  }
0x149: {  	v58 =	vsel vm3, $0xFFFFFFFF, v0;
	s18 =	sadd.s32 s25, s26;
	v15 =	vadd.s32 s16, v56  }
0x14a: {  	v19 =	vadd.s32 s18, v58;
	v11 =	vadd.s32 v11, v15;
	v59, _, _ =	vpop (xrf0)  }
0x14b: {  	v14 =	vadd.s32 v47, v19;
	vm8 =	vge.s32 v11, v12;
	(v2sf) =	vpush v59, $0xF  }
0x14c: {  	vm9 =	vlt.s32 v14, v10;
	vm1 =	vmand vm5, vm8;
	vm10 =	vgt.s32 v13, $0xFBF  }
0x14d: {  	vm2 =	vmand vm3, vm9;
	vm11 =	vlt.s32 v57, $0x41;
	vm1 =	vmor vm10, vm1  }
0x14e: {  	vm2 =	vmor vm11, vm2;
	v11 =	vsel vm1, $0x3F800000, v9  }
0x14f: {  	v60 =	vsel vm2, $0x3F800000, v9;
	[tilespmem:s17+$0x2020] =	vst v11  }
0x150: {  	s28 =	spop (v2sf);
	[tilespmem:s17+$0x1020] =	vst v60  }
0x151: {  	s29 =	spop (v2sf);
	v11 =	vld.idx.msk [tilespmem:v18+s12+$0x0], $0xffff  }
0x152: {  	v61 =	vsel vm0, $0xFFFFFFFF, v0;
	s18 =	sadd.s32 s18, s28;
	v62 =	vld.idx.msk [tilespmem:v18+s11+$0x0], $0xffff;
	s30 =	spop (v2sf)  }
0x153: {  	v63 =	vsel vm4, $0xFFFFFFFF, v0;
	v13 =	vadd.s32 s18, v61;
	s16 =	sadd.s32 s16, s30  }
0x154: {  	v13 =	vadd.s32 v49, v13;
	v15 =	vadd.s32 s16, v63  }
0x155: {  	vm12 =	vlt.s32 v13, v10;
	v10 =	vadd.s32 v59, v15  }
0x156: {  	vm0 =	vmand vm0, vm12;
	vm14 =	vlt.s32 v11, $0x41;
	vm13 =	vge.s32 v10, v12  }
0x157: {  	vm15 =	vgt.s32 v62, $0xFBF;
	vm0 =	vmor vm14, vm0;
	vm1 =	vmand vm4, vm13  }
0x158: {  	v10 =	vsel vm0, $0x3F800000, v9;
	vm1 =	vmor vm15, vm1  }
0x159: {  	[tilespmem:s17+$0x1030] =	vst v10;
	v10 =	vsel vm1, $0x3F800000, v9  }
0x15a: {  	s31 =	spop (v2sf);
	[tilespmem:s17+$0x2030] =	vst v10  }
0x15b: {  	[hbm4b:s4+s7] =	stream.strided.scatter [tilespmem:s13], [sflag:$0x1], $0x1000, s8, s7, $0x38;
	[tilespmem:$0x3500] =	vst v63  }
0x15c: {  	s15 =	sadd.s32 $0x1, s15;
	_ =	swait.ge [sflag:s9], $0x1000  }
0x15d: {  	p0 =	sne.s32 s15, s6;
	[sflag:s9] =	ssyncset.done $0x0  }
.Ltmp2:
0x15e: {  	[sflag:s9] =	ssyncadd.s32 $0xFFFFF000;
	(pc) =	sbr.rel @p0 .LBB2_1-.Ltmp2, $4  }
0x15f: {  	[hbm4b:s5+s7] =	stream.strided.scatter [tilespmem:s14], [sflag:$0x1], $0x1000, s8, s7, $0x38;
	[tilespmem:$0x3500] =	vst v63  }
0x160: {  	_ =	swait.ge [sflag:s9], $0x1000  }
0x161: {  	[sflag:s9] =	ssyncset.done $0x0  }
0x162: {  	[sflag:s9] =	ssyncadd.s32 $0xFFFFF000  }
0x163: {  	_ =	sfence.sel $0x180000  }
0x164: {  	[bflag:$0x0] =	sbarrier.arrive $0xFFFF  }
0x165: {  	p0 =	sne.s32 s1, $0x0;
	_ =	strace $0x90000047  }
0x166: {  	s0 =	sadd.s32 @!p0 $0x100000, s0;
	[bflag:$0x2] =	sbarrier.arrive $0xFFFF  }
0x167: {  	[sflag:s0] =	ssyncadd.tile.s32 @!p0 $0x1;
	_ =	shalt  }
.Lfunc_end2:
_tile_overlayer_lowered:
.L_overlay_start_2:
0x168: {  	(tag) =	ssettag $0x2  }
0x169: {  	s0 =	rddreg [dreg:$0x0];
	s2 =	stileid.u32  }
0x16a: {  	s1 =	rddreg [dreg:$0x1];
	p0 =	sne.s32 s2, $0x0  }
0x16b: {  	s3 =	rddreg [dreg:$0x2];
	[bflag:$0x3] =	sbarrier.arrive $0xFFFF;
	s2 =	simm.s32 @!p0 $0x1C01  }
0x16c: {  	[timem:s3], [sflag:s2] =	dma.local @!p0 [hbm:s0], s1  }
0x16d: {  	s0 =	simm.s32 @!p0 $0x1  }
0x16e: {  	_ =	swait.ge @!p0 [sflag:s0], s1  }
0x16f: {  	s1 =	ssub.s32 @!p0 $0x0, s1;
	[sflag:s0] =	ssyncset.done @!p0 $0x0  }
0x170: {  	[sflag:s0] =	ssyncadd.s32 @!p0 s1  }
0x171: {  	[bflag:$0x3] =	sbarrier.arrive $0xFFFF  }
0x172: {  	_ =	shalt  }

</sc_bundles>
